<compile_context>
chip_gen: v7x
topology: tpu7x:2x2x1
jax: 0.10.2.dev20260603
libtpu: 0.0.44.dev20260713+nightly
codegen_flags: <defaults>
</compile_context>

<pallas_src>
import functools

import jax
import jax.numpy as jnp
from jax import lax
from jax.experimental import pallas as pl
from jax.experimental.pallas import tpu as pltpu
from jax.experimental.pallas import tpu_sc as plsc

NBINS = 64
NSEG = NBINS + 1
EPS = 1e-12
NC, NS = 2, 16
NW = NC * NS
LANES = 16
HIST = NSEG * LANES


def _sc_segment_sums(sres, tres, dres):
    N, C, HW = sres.shape
    CPL = C // NW
    QB = 3200
    assert HW % QB == 0
    QCH = HW // QB

    mesh = plsc.VectorSubcoreMesh(core_axis_name="c", subcore_axis_name="s")

    @functools.partial(
        pl.kernel,
        out_type=(
            jax.ShapeDtypeStruct((NW, CPL * HIST), jnp.float32),
            jax.ShapeDtypeStruct((NW, CPL * HIST), jnp.float32),
            jax.ShapeDtypeStruct((NW, HIST), jnp.float32),
        ),
        mesh=mesh,
        compiler_params=pltpu.CompilerParams(needs_layout_passes=False),
        scratch_types=[
            pltpu.VMEM((CPL, QB), jnp.float32),
            pltpu.VMEM((CPL, QB), jnp.float32),
            pltpu.VMEM((QB,), jnp.float32),
            pltpu.VMEM((QB,), jnp.int32),
            pltpu.VMEM((CPL * HIST,), jnp.float32),
            pltpu.VMEM((CPL * HIST,), jnp.float32),
            pltpu.VMEM((HIST,), jnp.float32),
        ],
    )
    def seg_sum(sref, tref, dref, out_s, out_t, out_c,
                buf_s, buf_t, dv, ivbuf, hist_s, hist_t, hist_c):
        cid_ax = lax.axis_index("c")
        sid_ax = lax.axis_index("s")
        w = sid_ax * NC + cid_ax
        cbase = w * CPL

        zero = jnp.zeros((LANES,), jnp.float32)
        one = jnp.ones((LANES,), jnp.float32)
        lane = lax.iota(jnp.int32, LANES)

        def zh(i, carry):
            hist_s[pl.ds(i * LANES, LANES)] = zero
            hist_t[pl.ds(i * LANES, LANES)] = zero
            return carry

        lax.fori_loop(0, CPL * NSEG, zh, 0)

        def zc(i, carry):
            hist_c[pl.ds(i * LANES, LANES)] = zero
            return carry

        lax.fori_loop(0, NSEG, zc, 0)

        for n in range(N):
            def chunk(qc, carry):
                q0 = qc * QB
                pltpu.sync_copy(dref.at[pl.ds(n * HW + q0, QB)], dv)
                pltpu.sync_copy(sref.at[n, pl.ds(cbase, CPL), pl.ds(q0, QB)],
                                buf_s)
                pltpu.sync_copy(tref.at[n, pl.ds(cbase, CPL), pl.ds(q0, QB)],
                                buf_t)

                @functools.partial(
                    plsc.parallel_loop, 0, QB // LANES, unroll=4)
                def _(g):
                    d = dv[pl.ds(g * LANES, LANES)]
                    f = d * jnp.float32(NBINS)
                    bad = ((f < 0.0) | (f > jnp.float32(NBINS))
                           | ((d - d) != 0.0))
                    seg = jnp.where(bad, jnp.float32(NBINS), f)
                    ivbuf[pl.ds(g * LANES, LANES)] = (
                        seg.astype(jnp.int32) * LANES + lane)

                @functools.partial(
                    plsc.parallel_loop, 0, QB // LANES, unroll=2)
                def _(g):
                    iv = ivbuf[pl.ds(g * LANES, LANES)]
                    plsc.addupdate_scatter(hist_c, [iv], one)
                    for c in range(CPL):
                        ivc = iv + c * HIST
                        plsc.addupdate_scatter(
                            hist_s, [ivc], buf_s[c, pl.ds(g * LANES, LANES)])
                        plsc.addupdate_scatter(
                            hist_t, [ivc], buf_t[c, pl.ds(g * LANES, LANES)])

                return carry

            lax.fori_loop(0, QCH, chunk, 0)

        pltpu.sync_copy(hist_s, out_s.at[w])
        pltpu.sync_copy(hist_t, out_t.at[w])
        pltpu.sync_copy(hist_c, out_c.at[w])

    return seg_sum(sres, tres, dres)


def _finalize_body(acc_s_ref, acc_t_ref, acc_c_ref, out_ref):
    row = lax.broadcasted_iota(jnp.int32, (HIST, NSEG), 0) // LANES
    col = lax.broadcasted_iota(jnp.int32, (HIST, NSEG), 1)
    lane_sum = (row == col).astype(jnp.float32)
    dims_rc = (((1,), (0,)), ((), ()))
    hi = lax.Precision.HIGHEST

    counts = lax.dot_general(
        acc_c_ref[...][0:1, :], lane_sum, dims_rc, precision=hi)
    cnt = jnp.maximum(counts[:, :NBINS], 1.0)

    def feats(acc):
        sums = lax.dot_general(acc[...], lane_sum, dims_rc, precision=hi)
        means = sums[:, :NBINS] / cnt
        nrm = jnp.sqrt(jnp.sum(means * means, axis=0, keepdims=True))
        return means / jnp.maximum(nrm, EPS)

    f_s = feats(acc_s_ref)
    f_t = feats(acc_t_ref)
    dims_cc = (((0,), (0,)), ((), ()))
    sim_s = lax.dot_general(f_s, f_s, dims_cc, precision=hi)
    sim_t = lax.dot_general(f_t, f_t, dims_cc, precision=hi)
    diff = sim_s - sim_t
    out_ref[0, 0] = jnp.mean(diff * diff)


def kernel(preds_S, preds_T, depth_gt_resized):
    N, C, H, W = preds_S.shape
    sres = preds_S.reshape(N, C, H * W)
    tres = preds_T.reshape(N, C, H * W)
    dres = depth_gt_resized.reshape(N * H * W)
    acc_s, acc_t, acc_c = _sc_segment_sums(sres, tres, dres)
    acc_s = acc_s.reshape(C, HIST)
    acc_t = acc_t.reshape(C, HIST)
    loss = pl.pallas_call(
        _finalize_body,
        out_shape=jax.ShapeDtypeStruct((1, 1), jnp.float32),
        out_specs=pl.BlockSpec(memory_space=pltpu.SMEM),
    )(acc_s, acc_t, acc_c)
    return loss[0, 0]

# --- scband reference (transcript-rebuilt; emitter-appended) ---
"""Pipeline reference for scband-custom-distll-19705309954434 (READ-ONLY COPY).

The authoritative reference and input builder live on the scoring server;
editing this copy changes nothing except your own understanding.
"""

import jax, jax.numpy as jnp
import numpy as np
import math

DEPTH_MIN = 0.0
DEPTH_MAX = 1.0
MODE = 'UD'
NUM_BINS = 64
TAU = 1.0
LOSS_WEIGHT = 1.0
EPS = 1e-12


def bin_depths(depth_map, mode, depth_min, depth_max, num_bins):
    if mode == 'UD':
        bin_size = (depth_max - depth_min) / num_bins
        indices = (depth_map - depth_min) / bin_size
    elif mode == 'LID':
        bin_size = 2 * (depth_max - depth_min) / (num_bins * (1 + num_bins))
        indices = -0.5 + 0.5 * jnp.sqrt(1 + 8 * (depth_map - depth_min) / bin_size)
    elif mode == 'SID':
        indices = num_bins * (jnp.log(1 + depth_map) - math.log(1 + depth_min)) / (math.log(1 + depth_max) - math.log(1 + depth_min))
    else:
        raise NotImplementedError
    mask = (indices < 0) | (indices > num_bins) | (~jnp.isfinite(indices))
    indices = jnp.where(mask, num_bins, indices)
    return indices.astype(jnp.int32)


def setup_inputs(seed: int = 0) -> dict:
    key = jax.random.key(seed)
    k1, k2, k3 = jax.random.split(key, 3)
    preds_S = jax.random.normal(k1, (4, 256, 112, 200), dtype=jnp.float32)
    preds_T = jax.random.normal(k2, (4, 256, 112, 200), dtype=jnp.float32)
    depth_gt_resized = jax.random.uniform(k3, (4, 1, 112, 200), dtype=jnp.float32)
    return {"preds_S": preds_S, "preds_T": preds_T, "depth_gt_resized": depth_gt_resized}


def _bin_prototypes(preds, seg_ids, num_bins):
    # preds: (N, C, H, W) -> (P, C), P = N*H*W pixels
    N, C, H, W = preds.shape
    flat = jnp.transpose(preds, (0, 2, 3, 1)).reshape(-1, C)
    sums = jax.ops.segment_sum(flat, seg_ids, num_segments=num_bins + 1)
    counts = jax.ops.segment_sum(jnp.ones((flat.shape[0],), dtype=flat.dtype), seg_ids, num_segments=num_bins + 1)
    # bins 0..num_bins-1 (index num_bins collects out-of-range pixels, dropped)
    means = sums[:num_bins] / jnp.maximum(counts[:num_bins], 1.0)[:, None]
    # F.normalize(feat, p=2, dim=0) over channel dim C for each bin prototype
    norms = jnp.sqrt(jnp.sum(means * means, axis=1, keepdims=True))
    feats = means / jnp.maximum(norms, EPS)
    return feats  # (num_bins, C)


def reference(preds_S, preds_T, depth_gt_resized):
    N, C, H, W = preds_S.shape
    depth_idx = bin_depths(depth_gt_resized, MODE, DEPTH_MIN, DEPTH_MAX, NUM_BINS)  # (N,1,H,W)
    seg_ids = depth_idx.reshape(-1)  # one segment id per (n, h, w) pixel
    feat_S = _bin_prototypes(preds_S, seg_ids, NUM_BINS)  # (num_bins, C)
    feat_T = _bin_prototypes(preds_T, seg_ids, NUM_BINS)
    # student_feats is (C, num_bins); similarity = student_feats.T @ student_feats = feat @ feat.T
    similarity_S = feat_S @ feat_S.T
    similarity_T = feat_T @ feat_T.T
    loss = LOSS_WEIGHT * jnp.mean((similarity_S - similarity_T) ** 2)
    return loss

if __name__ == "__main__":
    import jax
    _d = setup_inputs()
    print(jax.jit(kernel)(*tuple(_d.values())))

</pallas_src>

<mosaic_0001>
#map = affine_map<(d0, d1) -> (0, 0, 0)>
#map1 = affine_map<(d0, d1) -> (0)>
#map2 = affine_map<(d0, d1) -> (0, 0)>
module attributes {stable_mosaic.version = 14 : i64} {
  func.func @seg_sum(%arg0: i32, %arg1: i32, %arg2: memref<4x256x22400xf32, #tpu.memory_space<hbm>>, %arg3: memref<4x256x22400xf32, #tpu.memory_space<hbm>>, %arg4: memref<89600xf32, #tpu.memory_space<hbm>>, %arg5: memref<32x8320xf32, #tpu.memory_space<hbm>>, %arg6: memref<32x8320xf32, #tpu.memory_space<hbm>>, %arg7: memref<32x1040xf32, #tpu.memory_space<hbm>>, %arg8: memref<8x3200xf32, #tpu.memory_space<vmem>>, %arg9: memref<8x3200xf32, #tpu.memory_space<vmem>>, %arg10: memref<3200xf32, #tpu.memory_space<vmem>>, %arg11: memref<3200xi32, #tpu.memory_space<vmem>>, %arg12: memref<8320xf32, #tpu.memory_space<vmem>>, %arg13: memref<8320xf32, #tpu.memory_space<vmem>>, %arg14: memref<1040xf32, #tpu.memory_space<vmem>>) attributes {dimension_semantics = [#tpu.dimension_semantics<core_parallel>, #tpu.dimension_semantics<subcore_parallel>], iteration_bounds = array<i64: 2, 16>, scalar_prefetch = 0 : i64, scratch_operands = 7 : i64, tpu.core_type = #tpu.core_type<sc_vector_subcore>, window_params = [{transform_indices = #map}, {transform_indices = #map}, {transform_indices = #map1}, {transform_indices = #map2}, {transform_indices = #map2}, {transform_indices = #map2}]} {
    %mul3A = arith.constant 2 : i32
    %mul3A_0 = arith.muli %arg1, %mul3A : i32
    %add3A = arith.addi %mul3A_0, %arg0 : i32
    %mul3A_1 = arith.constant 8 : i32
    %mul3A_2 = arith.muli %add3A, %mul3A_1 : i32
    %broadcast_in_dim3A = arith.constant 0.000000e+00 : f32
    %broadcast_in_dim3A_3 = vector.broadcast %broadcast_in_dim3A : f32 to vector<16xf32>
    %broadcast_in_dim3A_4 = arith.constant 1.000000e+00 : f32
    %broadcast_in_dim3A_5 = vector.broadcast %broadcast_in_dim3A_4 : f32 to vector<16xf32>
    %iota3A = tpu.iota {dimensions = array<i32: 0>} : vector<16xi32>
    %scan3A = arith.constant 0 : i32
    %scan3A_6 = arith.constant 0 : i32
    %scan3A_7 = arith.constant 520 : i32
    %scan3A_8 = arith.addi %scan3A_6, %scan3A_7 : i32
    %scan3A_9 = arith.constant 1 : i32
    scf.for %scan3A_41 = %scan3A_6 to %scan3A_8 step %scan3A_9  : i32 {
      %mul3A_42 = arith.constant 16 : i32
      %mul3A_43 = arith.muli %scan3A_41, %mul3A_42 : i32
      %swap3A = arith.index_cast %mul3A_43 : i32 to index
      %swap3A_44 = tpu.vector_load %arg12[%swap3A] {strides = array<i32>} : memref<8320xf32, #tpu.memory_space<vmem>>, vector<16xf32>,
      tpu.vector_store %arg12[%swap3A], %broadcast_in_dim3A_3 {strides = array<i32>} : memref<8320xf32, #tpu.memory_space<vmem>>, vector<16xf32>,
      %mul3A_45 = arith.constant 16 : i32
      %mul3A_46 = arith.muli %scan3A_41, %mul3A_45 : i32
      %swap3A_47 = arith.index_cast %mul3A_46 : i32 to index
      %swap3A_48 = tpu.vector_load %arg13[%swap3A_47] {strides = array<i32>} : memref<8320xf32, #tpu.memory_space<vmem>>, vector<16xf32>,
      tpu.vector_store %arg13[%swap3A_47], %broadcast_in_dim3A_3 {strides = array<i32>} : memref<8320xf32, #tpu.memory_space<vmem>>, vector<16xf32>,
    }
    %scan3A_10 = arith.constant 520 : i32
    %scan3A_11 = arith.constant 0 : i32
    %scan3A_12 = arith.constant 0 : i32
    %scan3A_13 = arith.constant 65 : i32
    %scan3A_14 = arith.addi %scan3A_12, %scan3A_13 : i32
    %scan3A_15 = arith.constant 1 : i32
    scf.for %scan3A_41 = %scan3A_12 to %scan3A_14 step %scan3A_15  : i32 {
      %mul3A_42 = arith.constant 16 : i32
      %mul3A_43 = arith.muli %scan3A_41, %mul3A_42 : i32
      %swap3A = arith.index_cast %mul3A_43 : i32 to index
      %swap3A_44 = tpu.vector_load %arg14[%swap3A] {strides = array<i32>} : memref<1040xf32, #tpu.memory_space<vmem>>, vector<16xf32>,
      tpu.vector_store %arg14[%swap3A], %broadcast_in_dim3A_3 {strides = array<i32>} : memref<1040xf32, #tpu.memory_space<vmem>>, vector<16xf32>,
    }
    %scan3A_16 = arith.constant 65 : i32
    %scan3A_17 = arith.constant 0 : i32
    %scan3A_18 = arith.constant 0 : i32
    %scan3A_19 = arith.constant 7 : i32
    %scan3A_20 = arith.addi %scan3A_18, %scan3A_19 : i32
    %scan3A_21 = arith.constant 1 : i32
    scf.for %scan3A_41 = %scan3A_18 to %scan3A_20 step %scan3A_21  : i32 {
      %mul3A_42 = arith.constant 3200 : i32
      %mul3A_43 = arith.muli %scan3A_41, %mul3A_42 : i32
      %add3A_44 = arith.constant 0 : i32
      %add3A_45 = arith.addi %add3A_44, %mul3A_43 : i32
      "tpu.region"() ({
        %run_scoped3A_47 = tpu.sem_alloc : memref<!tpu.dma_semaphore, #tpu.memory_space<semaphore_mem>>
        %dma_start3A = tpu.memref_slice %arg4[%add3A_45] : memref<89600xf32, #tpu.memory_space<hbm>> -> memref<3200xf32, #tpu.memory_space<hbm>>
        %dma_start3A_48 = tpu.memref_slice %arg4[%add3A_45] : memref<89600xf32, #tpu.memory_space<hbm>> -> memref<3200xf32, #tpu.memory_space<hbm>>
        tpu.enqueue_dma source(%dma_start3A_48 : memref<3200xf32, #tpu.memory_space<hbm>>) target(%arg10 : memref<3200xf32, #tpu.memory_space<vmem>>) target_semaphore(%run_scoped3A_47 : memref<!tpu.dma_semaphore, #tpu.memory_space<semaphore_mem>>)
        %dma_wait3A = tpu.memref_slice %arg4[%add3A_45] : memref<89600xf32, #tpu.memory_space<hbm>> -> memref<3200xf32, #tpu.memory_space<hbm>>
        %dma_wait3A_49 = tpu.memref_slice %arg4[%add3A_45] : memref<89600xf32, #tpu.memory_space<hbm>> -> memref<3200xf32, #tpu.memory_space<hbm>>
        tpu.wait_dma2 semaphore(%run_scoped3A_47 : memref<!tpu.dma_semaphore, #tpu.memory_space<semaphore_mem>>) src(%dma_wait3A_49 : memref<3200xf32, #tpu.memory_space<hbm>>) dst(%arg10 : memref<3200xf32, #tpu.memory_space<vmem>>)
        tpu.yield
      }) : () -> ()
      %run_scoped3A = arith.constant 0 : i32
      "tpu.region"() ({
        %run_scoped3A_47 = tpu.sem_alloc : memref<!tpu.dma_semaphore, #tpu.memory_space<semaphore_mem>>
        %dma_start3A = tpu.memref_slice %arg2[%run_scoped3A, %mul3A_2, %mul3A_43] : memref<4x256x22400xf32, #tpu.memory_space<hbm>> -> memref<1x8x3200xf32, #tpu.memory_space<hbm>>
        %dma_start3A_48 = tpu.memref_squeeze %dma_start3A : memref<1x8x3200xf32, #tpu.memory_space<hbm>> -> memref<8x3200xf32, #tpu.memory_space<hbm>>
        %dma_start3A_49 = tpu.memref_slice %arg2[%run_scoped3A, %mul3A_2, %mul3A_43] : memref<4x256x22400xf32, #tpu.memory_space<hbm>> -> memref<1x8x3200xf32, #tpu.memory_space<hbm>>
        %dma_start3A_50 = tpu.memref_squeeze %dma_start3A_49 : memref<1x8x3200xf32, #tpu.memory_space<hbm>> -> memref<8x3200xf32, #tpu.memory_space<hbm>>
        tpu.enqueue_dma source(%dma_start3A_50 : memref<8x3200xf32, #tpu.memory_space<hbm>>) target(%arg8 : memref<8x3200xf32, #tpu.memory_space<vmem>>) target_semaphore(%run_scoped3A_47 : memref<!tpu.dma_semaphore, #tpu.memory_space<semaphore_mem>>)
        %dma_wait3A = tpu.memref_slice %arg2[%run_scoped3A, %mul3A_2, %mul3A_43] : memref<4x256x22400xf32, #tpu.memory_space<hbm>> -> memref<1x8x3200xf32, #tpu.memory_space<hbm>>
        %dma_wait3A_51 = tpu.memref_squeeze %dma_wait3A : memref<1x8x3200xf32, #tpu.memory_space<hbm>> -> memref<8x3200xf32, #tpu.memory_space<hbm>>
        %dma_wait3A_52 = tpu.memref_slice %arg2[%run_scoped3A, %mul3A_2, %mul3A_43] : memref<4x256x22400xf32, #tpu.memory_space<hbm>> -> memref<1x8x3200xf32, #tpu.memory_space<hbm>>
        %dma_wait3A_53 = tpu.memref_squeeze %dma_wait3A_52 : memref<1x8x3200xf32, #tpu.memory_space<hbm>> -> memref<8x3200xf32, #tpu.memory_space<hbm>>
        tpu.wait_dma2 semaphore(%run_scoped3A_47 : memref<!tpu.dma_semaphore, #tpu.memory_space<semaphore_mem>>) src(%dma_wait3A_53 : memref<8x3200xf32, #tpu.memory_space<hbm>>) dst(%arg8 : memref<8x3200xf32, #tpu.memory_space<vmem>>)
        tpu.yield
      }) : () -> ()
      %run_scoped3A_46 = arith.constant 0 : i32
      "tpu.region"() ({
        %run_scoped3A_47 = tpu.sem_alloc : memref<!tpu.dma_semaphore, #tpu.memory_space<semaphore_mem>>
        %dma_start3A = tpu.memref_slice %arg3[%run_scoped3A_46, %mul3A_2, %mul3A_43] : memref<4x256x22400xf32, #tpu.memory_space<hbm>> -> memref<1x8x3200xf32, #tpu.memory_space<hbm>>
        %dma_start3A_48 = tpu.memref_squeeze %dma_start3A : memref<1x8x3200xf32, #tpu.memory_space<hbm>> -> memref<8x3200xf32, #tpu.memory_space<hbm>>
        %dma_start3A_49 = tpu.memref_slice %arg3[%run_scoped3A_46, %mul3A_2, %mul3A_43] : memref<4x256x22400xf32, #tpu.memory_space<hbm>> -> memref<1x8x3200xf32, #tpu.memory_space<hbm>>
        %dma_start3A_50 = tpu.memref_squeeze %dma_start3A_49 : memref<1x8x3200xf32, #tpu.memory_space<hbm>> -> memref<8x3200xf32, #tpu.memory_space<hbm>>
        tpu.enqueue_dma source(%dma_start3A_50 : memref<8x3200xf32, #tpu.memory_space<hbm>>) target(%arg9 : memref<8x3200xf32, #tpu.memory_space<vmem>>) target_semaphore(%run_scoped3A_47 : memref<!tpu.dma_semaphore, #tpu.memory_space<semaphore_mem>>)
        %dma_wait3A = tpu.memref_slice %arg3[%run_scoped3A_46, %mul3A_2, %mul3A_43] : memref<4x256x22400xf32, #tpu.memory_space<hbm>> -> memref<1x8x3200xf32, #tpu.memory_space<hbm>>
        %dma_wait3A_51 = tpu.memref_squeeze %dma_wait3A : memref<1x8x3200xf32, #tpu.memory_space<hbm>> -> memref<8x3200xf32, #tpu.memory_space<hbm>>
        %dma_wait3A_52 = tpu.memref_slice %arg3[%run_scoped3A_46, %mul3A_2, %mul3A_43] : memref<4x256x22400xf32, #tpu.memory_space<hbm>> -> memref<1x8x3200xf32, #tpu.memory_space<hbm>>
        %dma_wait3A_53 = tpu.memref_squeeze %dma_wait3A_52 : memref<1x8x3200xf32, #tpu.memory_space<hbm>> -> memref<8x3200xf32, #tpu.memory_space<hbm>>
        tpu.wait_dma2 semaphore(%run_scoped3A_47 : memref<!tpu.dma_semaphore, #tpu.memory_space<semaphore_mem>>) src(%dma_wait3A_53 : memref<8x3200xf32, #tpu.memory_space<hbm>>) dst(%arg9 : memref<8x3200xf32, #tpu.memory_space<vmem>>)
        tpu.yield
      }) : () -> ()
    }
    %scan3A_22 = arith.constant 7 : i32
    %scan3A_23 = arith.constant 0 : i32
    %scan3A_24 = arith.constant 0 : i32
    %scan3A_25 = arith.constant 7 : i32
    %scan3A_26 = arith.addi %scan3A_24, %scan3A_25 : i32
    %scan3A_27 = arith.constant 1 : i32
    scf.for %scan3A_41 = %scan3A_24 to %scan3A_26 step %scan3A_27  : i32 {
      %mul3A_42 = arith.constant 3200 : i32
      %mul3A_43 = arith.muli %scan3A_41, %mul3A_42 : i32
      %add3A_44 = arith.constant 22400 : i32
      %add3A_45 = arith.addi %add3A_44, %mul3A_43 : i32
      "tpu.region"() ({
        %run_scoped3A_47 = tpu.sem_alloc : memref<!tpu.dma_semaphore, #tpu.memory_space<semaphore_mem>>
        %dma_start3A = tpu.memref_slice %arg4[%add3A_45] : memref<89600xf32, #tpu.memory_space<hbm>> -> memref<3200xf32, #tpu.memory_space<hbm>>
        %dma_start3A_48 = tpu.memref_slice %arg4[%add3A_45] : memref<89600xf32, #tpu.memory_space<hbm>> -> memref<3200xf32, #tpu.memory_space<hbm>>
        tpu.enqueue_dma source(%dma_start3A_48 : memref<3200xf32, #tpu.memory_space<hbm>>) target(%arg10 : memref<3200xf32, #tpu.memory_space<vmem>>) target_semaphore(%run_scoped3A_47 : memref<!tpu.dma_semaphore, #tpu.memory_space<semaphore_mem>>)
        %dma_wait3A = tpu.memref_slice %arg4[%add3A_45] : memref<89600xf32, #tpu.memory_space<hbm>> -> memref<3200xf32, #tpu.memory_space<hbm>>
        %dma_wait3A_49 = tpu.memref_slice %arg4[%add3A_45] : memref<89600xf32, #tpu.memory_space<hbm>> -> memref<3200xf32, #tpu.memory_space<hbm>>
        tpu.wait_dma2 semaphore(%run_scoped3A_47 : memref<!tpu.dma_semaphore, #tpu.memory_space<semaphore_mem>>) src(%dma_wait3A_49 : memref<3200xf32, #tpu.memory_space<hbm>>) dst(%arg10 : memref<3200xf32, #tpu.memory_space<vmem>>)
        tpu.yield
      }) : () -> ()
      %run_scoped3A = arith.constant 1 : i32
      "tpu.region"() ({
        %run_scoped3A_47 = tpu.sem_alloc : memref<!tpu.dma_semaphore, #tpu.memory_space<semaphore_mem>>
        %dma_start3A = tpu.memref_slice %arg2[%run_scoped3A, %mul3A_2, %mul3A_43] : memref<4x256x22400xf32, #tpu.memory_space<hbm>> -> memref<1x8x3200xf32, #tpu.memory_space<hbm>>
        %dma_start3A_48 = tpu.memref_squeeze %dma_start3A : memref<1x8x3200xf32, #tpu.memory_space<hbm>> -> memref<8x3200xf32, #tpu.memory_space<hbm>>
        %dma_start3A_49 = tpu.memref_slice %arg2[%run_scoped3A, %mul3A_2, %mul3A_43] : memref<4x256x22400xf32, #tpu.memory_space<hbm>> -> memref<1x8x3200xf32, #tpu.memory_space<hbm>>
        %dma_start3A_50 = tpu.memref_squeeze %dma_start3A_49 : memref<1x8x3200xf32, #tpu.memory_space<hbm>> -> memref<8x3200xf32, #tpu.memory_space<hbm>>
        tpu.enqueue_dma source(%dma_start3A_50 : memref<8x3200xf32, #tpu.memory_space<hbm>>) target(%arg8 : memref<8x3200xf32, #tpu.memory_space<vmem>>) target_semaphore(%run_scoped3A_47 : memref<!tpu.dma_semaphore, #tpu.memory_space<semaphore_mem>>)
        %dma_wait3A = tpu.memref_slice %arg2[%run_scoped3A, %mul3A_2, %mul3A_43] : memref<4x256x22400xf32, #tpu.memory_space<hbm>> -> memref<1x8x3200xf32, #tpu.memory_space<hbm>>
        %dma_wait3A_51 = tpu.memref_squeeze %dma_wait3A : memref<1x8x3200xf32, #tpu.memory_space<hbm>> -> memref<8x3200xf32, #tpu.memory_space<hbm>>
        %dma_wait3A_52 = tpu.memref_slice %arg2[%run_scoped3A, %mul3A_2, %mul3A_43] : memref<4x256x22400xf32, #tpu.memory_space<hbm>> -> memref<1x8x3200xf32, #tpu.memory_space<hbm>>
        %dma_wait3A_53 = tpu.memref_squeeze %dma_wait3A_52 : memref<1x8x3200xf32, #tpu.memory_space<hbm>> -> memref<8x3200xf32, #tpu.memory_space<hbm>>
        tpu.wait_dma2 semaphore(%run_scoped3A_47 : memref<!tpu.dma_semaphore, #tpu.memory_space<semaphore_mem>>) src(%dma_wait3A_53 : memref<8x3200xf32, #tpu.memory_space<hbm>>) dst(%arg8 : memref<8x3200xf32, #tpu.memory_space<vmem>>)
        tpu.yield
      }) : () -> ()
      %run_scoped3A_46 = arith.constant 1 : i32
      "tpu.region"() ({
        %run_scoped3A_47 = tpu.sem_alloc : memref<!tpu.dma_semaphore, #tpu.memory_space<semaphore_mem>>
        %dma_start3A = tpu.memref_slice %arg3[%run_scoped3A_46, %mul3A_2, %mul3A_43] : memref<4x256x22400xf32, #tpu.memory_space<hbm>> -> memref<1x8x3200xf32, #tpu.memory_space<hbm>>
        %dma_start3A_48 = tpu.memref_squeeze %dma_start3A : memref<1x8x3200xf32, #tpu.memory_space<hbm>> -> memref<8x3200xf32, #tpu.memory_space<hbm>>
        %dma_start3A_49 = tpu.memref_slice %arg3[%run_scoped3A_46, %mul3A_2, %mul3A_43] : memref<4x256x22400xf32, #tpu.memory_space<hbm>> -> memref<1x8x3200xf32, #tpu.memory_space<hbm>>
        %dma_start3A_50 = tpu.memref_squeeze %dma_start3A_49 : memref<1x8x3200xf32, #tpu.memory_space<hbm>> -> memref<8x3200xf32, #tpu.memory_space<hbm>>
        tpu.enqueue_dma source(%dma_start3A_50 : memref<8x3200xf32, #tpu.memory_space<hbm>>) target(%arg9 : memref<8x3200xf32, #tpu.memory_space<vmem>>) target_semaphore(%run_scoped3A_47 : memref<!tpu.dma_semaphore, #tpu.memory_space<semaphore_mem>>)
        %dma_wait3A = tpu.memref_slice %arg3[%run_scoped3A_46, %mul3A_2, %mul3A_43] : memref<4x256x22400xf32, #tpu.memory_space<hbm>> -> memref<1x8x3200xf32, #tpu.memory_space<hbm>>
        %dma_wait3A_51 = tpu.memref_squeeze %dma_wait3A : memref<1x8x3200xf32, #tpu.memory_space<hbm>> -> memref<8x3200xf32, #tpu.memory_space<hbm>>
        %dma_wait3A_52 = tpu.memref_slice %arg3[%run_scoped3A_46, %mul3A_2, %mul3A_43] : memref<4x256x22400xf32, #tpu.memory_space<hbm>> -> memref<1x8x3200xf32, #tpu.memory_space<hbm>>
        %dma_wait3A_53 = tpu.memref_squeeze %dma_wait3A_52 : memref<1x8x3200xf32, #tpu.memory_space<hbm>> -> memref<8x3200xf32, #tpu.memory_space<hbm>>
        tpu.wait_dma2 semaphore(%run_scoped3A_47 : memref<!tpu.dma_semaphore, #tpu.memory_space<semaphore_mem>>) src(%dma_wait3A_53 : memref<8x3200xf32, #tpu.memory_space<hbm>>) dst(%arg9 : memref<8x3200xf32, #tpu.memory_space<vmem>>)
        tpu.yield
      }) : () -> ()
    }
    %scan3A_28 = arith.constant 7 : i32
    %scan3A_29 = arith.constant 0 : i32
    %scan3A_30 = arith.constant 0 : i32
    %scan3A_31 = arith.constant 7 : i32
    %scan3A_32 = arith.addi %scan3A_30, %scan3A_31 : i32
    %scan3A_33 = arith.constant 1 : i32
    scf.for %scan3A_41 = %scan3A_30 to %scan3A_32 step %scan3A_33  : i32 {
      %mul3A_42 = arith.constant 3200 : i32
      %mul3A_43 = arith.muli %scan3A_41, %mul3A_42 : i32
      %add3A_44 = arith.constant 44800 : i32
      %add3A_45 = arith.addi %add3A_44, %mul3A_43 : i32
      "tpu.region"() ({
        %run_scoped3A_47 = tpu.sem_alloc : memref<!tpu.dma_semaphore, #tpu.memory_space<semaphore_mem>>
        %dma_start3A = tpu.memref_slice %arg4[%add3A_45] : memref<89600xf32, #tpu.memory_space<hbm>> -> memref<3200xf32, #tpu.memory_space<hbm>>
        %dma_start3A_48 = tpu.memref_slice %arg4[%add3A_45] : memref<89600xf32, #tpu.memory_space<hbm>> -> memref<3200xf32, #tpu.memory_space<hbm>>
        tpu.enqueue_dma source(%dma_start3A_48 : memref<3200xf32, #tpu.memory_space<hbm>>) target(%arg10 : memref<3200xf32, #tpu.memory_space<vmem>>) target_semaphore(%run_scoped3A_47 : memref<!tpu.dma_semaphore, #tpu.memory_space<semaphore_mem>>)
        %dma_wait3A = tpu.memref_slice %arg4[%add3A_45] : memref<89600xf32, #tpu.memory_space<hbm>> -> memref<3200xf32, #tpu.memory_space<hbm>>
        %dma_wait3A_49 = tpu.memref_slice %arg4[%add3A_45] : memref<89600xf32, #tpu.memory_space<hbm>> -> memref<3200xf32, #tpu.memory_space<hbm>>
        tpu.wait_dma2 semaphore(%run_scoped3A_47 : memref<!tpu.dma_semaphore, #tpu.memory_space<semaphore_mem>>) src(%dma_wait3A_49 : memref<3200xf32, #tpu.memory_space<hbm>>) dst(%arg10 : memref<3200xf32, #tpu.memory_space<vmem>>)
        tpu.yield
      }) : () -> ()
      %run_scoped3A = arith.constant 2 : i32
      "tpu.region"() ({
        %run_scoped3A_47 = tpu.sem_alloc : memref<!tpu.dma_semaphore, #tpu.memory_space<semaphore_mem>>
        %dma_start3A = tpu.memref_slice %arg2[%run_scoped3A, %mul3A_2, %mul3A_43] : memref<4x256x22400xf32, #tpu.memory_space<hbm>> -> memref<1x8x3200xf32, #tpu.memory_space<hbm>>
        %dma_start3A_48 = tpu.memref_squeeze %dma_start3A : memref<1x8x3200xf32, #tpu.memory_space<hbm>> -> memref<8x3200xf32, #tpu.memory_space<hbm>>
        %dma_start3A_49 = tpu.memref_slice %arg2[%run_scoped3A, %mul3A_2, %mul3A_43] : memref<4x256x22400xf32, #tpu.memory_space<hbm>> -> memref<1x8x3200xf32, #tpu.memory_space<hbm>>
        %dma_start3A_50 = tpu.memref_squeeze %dma_start3A_49 : memref<1x8x3200xf32, #tpu.memory_space<hbm>> -> memref<8x3200xf32, #tpu.memory_space<hbm>>
        tpu.enqueue_dma source(%dma_start3A_50 : memref<8x3200xf32, #tpu.memory_space<hbm>>) target(%arg8 : memref<8x3200xf32, #tpu.memory_space<vmem>>) target_semaphore(%run_scoped3A_47 : memref<!tpu.dma_semaphore, #tpu.memory_space<semaphore_mem>>)
        %dma_wait3A = tpu.memref_slice %arg2[%run_scoped3A, %mul3A_2, %mul3A_43] : memref<4x256x22400xf32, #tpu.memory_space<hbm>> -> memref<1x8x3200xf32, #tpu.memory_space<hbm>>
        %dma_wait3A_51 = tpu.memref_squeeze %dma_wait3A : memref<1x8x3200xf32, #tpu.memory_space<hbm>> -> memref<8x3200xf32, #tpu.memory_space<hbm>>
        %dma_wait3A_52 = tpu.memref_slice %arg2[%run_scoped3A, %mul3A_2, %mul3A_43] : memref<4x256x22400xf32, #tpu.memory_space<hbm>> -> memref<1x8x3200xf32, #tpu.memory_space<hbm>>
        %dma_wait3A_53 = tpu.memref_squeeze %dma_wait3A_52 : memref<1x8x3200xf32, #tpu.memory_space<hbm>> -> memref<8x3200xf32, #tpu.memory_space<hbm>>
        tpu.wait_dma2 semaphore(%run_scoped3A_47 : memref<!tpu.dma_semaphore, #tpu.memory_space<semaphore_mem>>) src(%dma_wait3A_53 : memref<8x3200xf32, #tpu.memory_space<hbm>>) dst(%arg8 : memref<8x3200xf32, #tpu.memory_space<vmem>>)
        tpu.yield
      }) : () -> ()
      %run_scoped3A_46 = arith.constant 2 : i32
      "tpu.region"() ({
        %run_scoped3A_47 = tpu.sem_alloc : memref<!tpu.dma_semaphore, #tpu.memory_space<semaphore_mem>>
        %dma_start3A = tpu.memref_slice %arg3[%run_scoped3A_46, %mul3A_2, %mul3A_43] : memref<4x256x22400xf32, #tpu.memory_space<hbm>> -> memref<1x8x3200xf32, #tpu.memory_space<hbm>>
        %dma_start3A_48 = tpu.memref_squeeze %dma_start3A : memref<1x8x3200xf32, #tpu.memory_space<hbm>> -> memref<8x3200xf32, #tpu.memory_space<hbm>>
        %dma_start3A_49 = tpu.memref_slice %arg3[%run_scoped3A_46, %mul3A_2, %mul3A_43] : memref<4x256x22400xf32, #tpu.memory_space<hbm>> -> memref<1x8x3200xf32, #tpu.memory_space<hbm>>
        %dma_start3A_50 = tpu.memref_squeeze %dma_start3A_49 : memref<1x8x3200xf32, #tpu.memory_space<hbm>> -> memref<8x3200xf32, #tpu.memory_space<hbm>>
        tpu.enqueue_dma source(%dma_start3A_50 : memref<8x3200xf32, #tpu.memory_space<hbm>>) target(%arg9 : memref<8x3200xf32, #tpu.memory_space<vmem>>) target_semaphore(%run_scoped3A_47 : memref<!tpu.dma_semaphore, #tpu.memory_space<semaphore_mem>>)
        %dma_wait3A = tpu.memref_slice %arg3[%run_scoped3A_46, %mul3A_2, %mul3A_43] : memref<4x256x22400xf32, #tpu.memory_space<hbm>> -> memref<1x8x3200xf32, #tpu.memory_space<hbm>>
        %dma_wait3A_51 = tpu.memref_squeeze %dma_wait3A : memref<1x8x3200xf32, #tpu.memory_space<hbm>> -> memref<8x3200xf32, #tpu.memory_space<hbm>>
        %dma_wait3A_52 = tpu.memref_slice %arg3[%run_scoped3A_46, %mul3A_2, %mul3A_43] : memref<4x256x22400xf32, #tpu.memory_space<hbm>> -> memref<1x8x3200xf32, #tpu.memory_space<hbm>>
        %dma_wait3A_53 = tpu.memref_squeeze %dma_wait3A_52 : memref<1x8x3200xf32, #tpu.memory_space<hbm>> -> memref<8x3200xf32, #tpu.memory_space<hbm>>
        tpu.wait_dma2 semaphore(%run_scoped3A_47 : memref<!tpu.dma_semaphore, #tpu.memory_space<semaphore_mem>>) src(%dma_wait3A_53 : memref<8x3200xf32, #tpu.memory_space<hbm>>) dst(%arg9 : memref<8x3200xf32, #tpu.memory_space<vmem>>)
        tpu.yield
      }) : () -> ()
    }
    %scan3A_34 = arith.constant 7 : i32
    %scan3A_35 = arith.constant 0 : i32
    %scan3A_36 = arith.constant 0 : i32
    %scan3A_37 = arith.constant 7 : i32
    %scan3A_38 = arith.addi %scan3A_36, %scan3A_37 : i32
    %scan3A_39 = arith.constant 1 : i32
    scf.for %scan3A_41 = %scan3A_36 to %scan3A_38 step %scan3A_39  : i32 {
      %mul3A_42 = arith.constant 3200 : i32
      %mul3A_43 = arith.muli %scan3A_41, %mul3A_42 : i32
      %add3A_44 = arith.constant 67200 : i32
      %add3A_45 = arith.addi %add3A_44, %mul3A_43 : i32
      "tpu.region"() ({
        %run_scoped3A_47 = tpu.sem_alloc : memref<!tpu.dma_semaphore, #tpu.memory_space<semaphore_mem>>
        %dma_start3A = tpu.memref_slice %arg4[%add3A_45] : memref<89600xf32, #tpu.memory_space<hbm>> -> memref<3200xf32, #tpu.memory_space<hbm>>
        %dma_start3A_48 = tpu.memref_slice %arg4[%add3A_45] : memref<89600xf32, #tpu.memory_space<hbm>> -> memref<3200xf32, #tpu.memory_space<hbm>>
        tpu.enqueue_dma source(%dma_start3A_48 : memref<3200xf32, #tpu.memory_space<hbm>>) target(%arg10 : memref<3200xf32, #tpu.memory_space<vmem>>) target_semaphore(%run_scoped3A_47 : memref<!tpu.dma_semaphore, #tpu.memory_space<semaphore_mem>>)
        %dma_wait3A = tpu.memref_slice %arg4[%add3A_45] : memref<89600xf32, #tpu.memory_space<hbm>> -> memref<3200xf32, #tpu.memory_space<hbm>>
        %dma_wait3A_49 = tpu.memref_slice %arg4[%add3A_45] : memref<89600xf32, #tpu.memory_space<hbm>> -> memref<3200xf32, #tpu.memory_space<hbm>>
        tpu.wait_dma2 semaphore(%run_scoped3A_47 : memref<!tpu.dma_semaphore, #tpu.memory_space<semaphore_mem>>) src(%dma_wait3A_49 : memref<3200xf32, #tpu.memory_space<hbm>>) dst(%arg10 : memref<3200xf32, #tpu.memory_space<vmem>>)
        tpu.yield
      }) : () -> ()
      %run_scoped3A = arith.constant 3 : i32
      "tpu.region"() ({
        %run_scoped3A_47 = tpu.sem_alloc : memref<!tpu.dma_semaphore, #tpu.memory_space<semaphore_mem>>
        %dma_start3A = tpu.memref_slice %arg2[%run_scoped3A, %mul3A_2, %mul3A_43] : memref<4x256x22400xf32, #tpu.memory_space<hbm>> -> memref<1x8x3200xf32, #tpu.memory_space<hbm>>
        %dma_start3A_48 = tpu.memref_squeeze %dma_start3A : memref<1x8x3200xf32, #tpu.memory_space<hbm>> -> memref<8x3200xf32, #tpu.memory_space<hbm>>
        %dma_start3A_49 = tpu.memref_slice %arg2[%run_scoped3A, %mul3A_2, %mul3A_43] : memref<4x256x22400xf32, #tpu.memory_space<hbm>> -> memref<1x8x3200xf32, #tpu.memory_space<hbm>>
        %dma_start3A_50 = tpu.memref_squeeze %dma_start3A_49 : memref<1x8x3200xf32, #tpu.memory_space<hbm>> -> memref<8x3200xf32, #tpu.memory_space<hbm>>
        tpu.enqueue_dma source(%dma_start3A_50 : memref<8x3200xf32, #tpu.memory_space<hbm>>) target(%arg8 : memref<8x3200xf32, #tpu.memory_space<vmem>>) target_semaphore(%run_scoped3A_47 : memref<!tpu.dma_semaphore, #tpu.memory_space<semaphore_mem>>)
        %dma_wait3A = tpu.memref_slice %arg2[%run_scoped3A, %mul3A_2, %mul3A_43] : memref<4x256x22400xf32, #tpu.memory_space<hbm>> -> memref<1x8x3200xf32, #tpu.memory_space<hbm>>
        %dma_wait3A_51 = tpu.memref_squeeze %dma_wait3A : memref<1x8x3200xf32, #tpu.memory_space<hbm>> -> memref<8x3200xf32, #tpu.memory_space<hbm>>
        %dma_wait3A_52 = tpu.memref_slice %arg2[%run_scoped3A, %mul3A_2, %mul3A_43] : memref<4x256x22400xf32, #tpu.memory_space<hbm>> -> memref<1x8x3200xf32, #tpu.memory_space<hbm>>
        %dma_wait3A_53 = tpu.memref_squeeze %dma_wait3A_52 : memref<1x8x3200xf32, #tpu.memory_space<hbm>> -> memref<8x3200xf32, #tpu.memory_space<hbm>>
        tpu.wait_dma2 semaphore(%run_scoped3A_47 : memref<!tpu.dma_semaphore, #tpu.memory_space<semaphore_mem>>) src(%dma_wait3A_53 : memref<8x3200xf32, #tpu.memory_space<hbm>>) dst(%arg8 : memref<8x3200xf32, #tpu.memory_space<vmem>>)
        tpu.yield
      }) : () -> ()
      %run_scoped3A_46 = arith.constant 3 : i32
      "tpu.region"() ({
        %run_scoped3A_47 = tpu.sem_alloc : memref<!tpu.dma_semaphore, #tpu.memory_space<semaphore_mem>>
        %dma_start3A = tpu.memref_slice %arg3[%run_scoped3A_46, %mul3A_2, %mul3A_43] : memref<4x256x22400xf32, #tpu.memory_space<hbm>> -> memref<1x8x3200xf32, #tpu.memory_space<hbm>>
        %dma_start3A_48 = tpu.memref_squeeze %dma_start3A : memref<1x8x3200xf32, #tpu.memory_space<hbm>> -> memref<8x3200xf32, #tpu.memory_space<hbm>>
        %dma_start3A_49 = tpu.memref_slice %arg3[%run_scoped3A_46, %mul3A_2, %mul3A_43] : memref<4x256x22400xf32, #tpu.memory_space<hbm>> -> memref<1x8x3200xf32, #tpu.memory_space<hbm>>
        %dma_start3A_50 = tpu.memref_squeeze %dma_start3A_49 : memref<1x8x3200xf32, #tpu.memory_space<hbm>> -> memref<8x3200xf32, #tpu.memory_space<hbm>>
        tpu.enqueue_dma source(%dma_start3A_50 : memref<8x3200xf32, #tpu.memory_space<hbm>>) target(%arg9 : memref<8x3200xf32, #tpu.memory_space<vmem>>) target_semaphore(%run_scoped3A_47 : memref<!tpu.dma_semaphore, #tpu.memory_space<semaphore_mem>>)
        %dma_wait3A = tpu.memref_slice %arg3[%run_scoped3A_46, %mul3A_2, %mul3A_43] : memref<4x256x22400xf32, #tpu.memory_space<hbm>> -> memref<1x8x3200xf32, #tpu.memory_space<hbm>>
        %dma_wait3A_51 = tpu.memref_squeeze %dma_wait3A : memref<1x8x3200xf32, #tpu.memory_space<hbm>> -> memref<8x3200xf32, #tpu.memory_space<hbm>>
        %dma_wait3A_52 = tpu.memref_slice %arg3[%run_scoped3A_46, %mul3A_2, %mul3A_43] : memref<4x256x22400xf32, #tpu.memory_space<hbm>> -> memref<1x8x3200xf32, #tpu.memory_space<hbm>>
        %dma_wait3A_53 = tpu.memref_squeeze %dma_wait3A_52 : memref<1x8x3200xf32, #tpu.memory_space<hbm>> -> memref<8x3200xf32, #tpu.memory_space<hbm>>
        tpu.wait_dma2 semaphore(%run_scoped3A_47 : memref<!tpu.dma_semaphore, #tpu.memory_space<semaphore_mem>>) src(%dma_wait3A_53 : memref<8x3200xf32, #tpu.memory_space<hbm>>) dst(%arg9 : memref<8x3200xf32, #tpu.memory_space<vmem>>)
        tpu.yield
      }) : () -> ()
    }
    %scan3A_40 = arith.constant 7 : i32
    "tpu.region"() ({
      %run_scoped3A = tpu.sem_alloc : memref<!tpu.dma_semaphore, #tpu.memory_space<semaphore_mem>>
      %dma_start3A = arith.constant 0 : i32
      %dma_start3A_41 = tpu.memref_slice %arg5[%add3A, %dma_start3A] : memref<32x8320xf32, #tpu.memory_space<hbm>> -> memref<1x8320xf32, #tpu.memory_space<hbm>>
      %dma_start3A_42 = tpu.memref_squeeze %dma_start3A_41 : memref<1x8320xf32, #tpu.memory_space<hbm>> -> memref<8320xf32, #tpu.memory_space<hbm>>
      %dma_start3A_43 = arith.constant 0 : i32
      %dma_start3A_44 = tpu.memref_slice %arg5[%add3A, %dma_start3A_43] : memref<32x8320xf32, #tpu.memory_space<hbm>> -> memref<1x8320xf32, #tpu.memory_space<hbm>>
      %dma_start3A_45 = tpu.memref_squeeze %dma_start3A_44 : memref<1x8320xf32, #tpu.memory_space<hbm>> -> memref<8320xf32, #tpu.memory_space<hbm>>
      tpu.enqueue_dma source(%arg12 : memref<8320xf32, #tpu.memory_space<vmem>>) target(%dma_start3A_45 : memref<8320xf32, #tpu.memory_space<hbm>>) target_semaphore(%run_scoped3A : memref<!tpu.dma_semaphore, #tpu.memory_space<semaphore_mem>>)
      %dma_wait3A = arith.constant 0 : i32
      %dma_wait3A_46 = tpu.memref_slice %arg5[%add3A, %dma_wait3A] : memref<32x8320xf32, #tpu.memory_space<hbm>> -> memref<1x8320xf32, #tpu.memory_space<hbm>>
      %dma_wait3A_47 = tpu.memref_squeeze %dma_wait3A_46 : memref<1x8320xf32, #tpu.memory_space<hbm>> -> memref<8320xf32, #tpu.memory_space<hbm>>
      %dma_wait3A_48 = arith.constant 0 : i32
      %dma_wait3A_49 = tpu.memref_slice %arg5[%add3A, %dma_wait3A_48] : memref<32x8320xf32, #tpu.memory_space<hbm>> -> memref<1x8320xf32, #tpu.memory_space<hbm>>
      %dma_wait3A_50 = tpu.memref_squeeze %dma_wait3A_49 : memref<1x8320xf32, #tpu.memory_space<hbm>> -> memref<8320xf32, #tpu.memory_space<hbm>>
      tpu.wait_dma2 semaphore(%run_scoped3A : memref<!tpu.dma_semaphore, #tpu.memory_space<semaphore_mem>>) src(%arg12 : memref<8320xf32, #tpu.memory_space<vmem>>) dst(%dma_wait3A_50 : memref<8320xf32, #tpu.memory_space<hbm>>)
      tpu.yield
    }) : () -> ()
    "tpu.region"() ({
      %run_scoped3A = tpu.sem_alloc : memref<!tpu.dma_semaphore, #tpu.memory_space<semaphore_mem>>
      %dma_start3A = arith.constant 0 : i32
      %dma_start3A_41 = tpu.memref_slice %arg6[%add3A, %dma_start3A] : memref<32x8320xf32, #tpu.memory_space<hbm>> -> memref<1x8320xf32, #tpu.memory_space<hbm>>
      %dma_start3A_42 = tpu.memref_squeeze %dma_start3A_41 : memref<1x8320xf32, #tpu.memory_space<hbm>> -> memref<8320xf32, #tpu.memory_space<hbm>>
      %dma_start3A_43 = arith.constant 0 : i32
      %dma_start3A_44 = tpu.memref_slice %arg6[%add3A, %dma_start3A_43] : memref<32x8320xf32, #tpu.memory_space<hbm>> -> memref<1x8320xf32, #tpu.memory_space<hbm>>
      %dma_start3A_45 = tpu.memref_squeeze %dma_start3A_44 : memref<1x8320xf32, #tpu.memory_space<hbm>> -> memref<8320xf32, #tpu.memory_space<hbm>>
      tpu.enqueue_dma source(%arg13 : memref<8320xf32, #tpu.memory_space<vmem>>) target(%dma_start3A_45 : memref<8320xf32, #tpu.memory_space<hbm>>) target_semaphore(%run_scoped3A : memref<!tpu.dma_semaphore, #tpu.memory_space<semaphore_mem>>)
      %dma_wait3A = arith.constant 0 : i32
      %dma_wait3A_46 = tpu.memref_slice %arg6[%add3A, %dma_wait3A] : memref<32x8320xf32, #tpu.memory_space<hbm>> -> memref<1x8320xf32, #tpu.memory_space<hbm>>
      %dma_wait3A_47 = tpu.memref_squeeze %dma_wait3A_46 : memref<1x8320xf32, #tpu.memory_space<hbm>> -> memref<8320xf32, #tpu.memory_space<hbm>>
      %dma_wait3A_48 = arith.constant 0 : i32
      %dma_wait3A_49 = tpu.memref_slice %arg6[%add3A, %dma_wait3A_48] : memref<32x8320xf32, #tpu.memory_space<hbm>> -> memref<1x8320xf32, #tpu.memory_space<hbm>>
      %dma_wait3A_50 = tpu.memref_squeeze %dma_wait3A_49 : memref<1x8320xf32, #tpu.memory_space<hbm>> -> memref<8320xf32, #tpu.memory_space<hbm>>
      tpu.wait_dma2 semaphore(%run_scoped3A : memref<!tpu.dma_semaphore, #tpu.memory_space<semaphore_mem>>) src(%arg13 : memref<8320xf32, #tpu.memory_space<vmem>>) dst(%dma_wait3A_50 : memref<8320xf32, #tpu.memory_space<hbm>>)
      tpu.yield
    }) : () -> ()
    "tpu.region"() ({
      %run_scoped3A = tpu.sem_alloc : memref<!tpu.dma_semaphore, #tpu.memory_space<semaphore_mem>>
      %dma_start3A = arith.constant 0 : i32
      %dma_start3A_41 = tpu.memref_slice %arg7[%add3A, %dma_start3A] : memref<32x1040xf32, #tpu.memory_space<hbm>> -> memref<1x1040xf32, #tpu.memory_space<hbm>>
      %dma_start3A_42 = tpu.memref_squeeze %dma_start3A_41 : memref<1x1040xf32, #tpu.memory_space<hbm>> -> memref<1040xf32, #tpu.memory_space<hbm>>
      %dma_start3A_43 = arith.constant 0 : i32
      %dma_start3A_44 = tpu.memref_slice %arg7[%add3A, %dma_start3A_43] : memref<32x1040xf32, #tpu.memory_space<hbm>> -> memref<1x1040xf32, #tpu.memory_space<hbm>>
      %dma_start3A_45 = tpu.memref_squeeze %dma_start3A_44 : memref<1x1040xf32, #tpu.memory_space<hbm>> -> memref<1040xf32, #tpu.memory_space<hbm>>
      tpu.enqueue_dma source(%arg14 : memref<1040xf32, #tpu.memory_space<vmem>>) target(%dma_start3A_45 : memref<1040xf32, #tpu.memory_space<hbm>>) target_semaphore(%run_scoped3A : memref<!tpu.dma_semaphore, #tpu.memory_space<semaphore_mem>>)
      %dma_wait3A = arith.constant 0 : i32
      %dma_wait3A_46 = tpu.memref_slice %arg7[%add3A, %dma_wait3A] : memref<32x1040xf32, #tpu.memory_space<hbm>> -> memref<1x1040xf32, #tpu.memory_space<hbm>>
      %dma_wait3A_47 = tpu.memref_squeeze %dma_wait3A_46 : memref<1x1040xf32, #tpu.memory_space<hbm>> -> memref<1040xf32, #tpu.memory_space<hbm>>
      %dma_wait3A_48 = arith.constant 0 : i32
      %dma_wait3A_49 = tpu.memref_slice %arg7[%add3A, %dma_wait3A_48] : memref<32x1040xf32, #tpu.memory_space<hbm>> -> memref<1x1040xf32, #tpu.memory_space<hbm>>
      %dma_wait3A_50 = tpu.memref_squeeze %dma_wait3A_49 : memref<1x1040xf32, #tpu.memory_space<hbm>> -> memref<1040xf32, #tpu.memory_space<hbm>>
      tpu.wait_dma2 semaphore(%run_scoped3A : memref<!tpu.dma_semaphore, #tpu.memory_space<semaphore_mem>>) src(%arg14 : memref<1040xf32, #tpu.memory_space<vmem>>) dst(%dma_wait3A_50 : memref<1040xf32, #tpu.memory_space<hbm>>)
      tpu.yield
    }) : () -> ()
    return
  }
}

module attributes {stable_mosaic.version = 14 : i64} {
  func.func @_finalize_body(%arg0: memref<256x1040xf32, #tpu.memory_space<vmem>>, %arg1: memref<256x1040xf32, #tpu.memory_space<vmem>>, %arg2: memref<32x1040xf32, #tpu.memory_space<vmem>>, %arg3: memref<1x1xf32, #tpu.memory_space<smem>>) attributes {dimension_semantics = [], scalar_prefetch = 0 : i64, scratch_operands = 0 : i64, tpu.core_type = #tpu.core_type<tc>} {
    %iota3A = tpu.iota {dimensions = array<i32: 0>} : vector<1040x65xi32>
    %jit3A = arith.constant 16 : i32
    %div3A = vector.broadcast %jit3A : i32 to vector<1040x65xi32>
    %div3A_0 = arith.divsi %iota3A, %div3A : vector<1040x65xi32>
    %sign3A = arith.constant 0 : i32
    %sign3A_1 = vector.broadcast %sign3A : i32 to vector<1040x65xi32>
    %sign3A_2 = arith.cmpi sgt, %iota3A, %sign3A_1 : vector<1040x65xi32>
    %sign3A_3 = arith.extui %sign3A_2 : vector<1040x65xi1> to vector<1040x65xi32>
    %sign3A_4 = arith.constant 0 : i32
    %sign3A_5 = vector.broadcast %sign3A_4 : i32 to vector<1040x65xi32>
    %sign3A_6 = arith.cmpi slt, %iota3A, %sign3A_5 : vector<1040x65xi32>
    %sign3A_7 = arith.extui %sign3A_6 : vector<1040x65xi1> to vector<1040x65xi32>
    %sign3A_8 = arith.subi %sign3A_3, %sign3A_7 : vector<1040x65xi32>
    %sign3A_9 = arith.constant 0 : i32
    %sign3A_10 = arith.cmpi sgt, %jit3A, %sign3A_9 : i32
    %sign3A_11 = arith.extui %sign3A_10 : i1 to i32
    %sign3A_12 = arith.constant 0 : i32
    %sign3A_13 = arith.cmpi slt, %jit3A, %sign3A_12 : i32
    %sign3A_14 = arith.extui %sign3A_13 : i1 to i32
    %sign3A_15 = arith.subi %sign3A_11, %sign3A_14 : i32
    %ne3A = vector.broadcast %sign3A_15 : i32 to vector<1040x65xi32>
    %ne3A_16 = arith.cmpi ne, %sign3A_8, %ne3A : vector<1040x65xi32>
    %rem3A = vector.broadcast %jit3A : i32 to vector<1040x65xi32>
    %rem3A_17 = arith.remsi %iota3A, %rem3A : vector<1040x65xi32>
    %ne3A_18 = arith.constant 0 : i32
    %ne3A_19 = vector.broadcast %ne3A_18 : i32 to vector<1040x65xi32>
    %ne3A_20 = arith.cmpi ne, %rem3A_17, %ne3A_19 : vector<1040x65xi32>
    %and3A = arith.andi %ne3A_16, %ne3A_20 : vector<1040x65xi1>
    %sub3A = arith.constant 1 : i32
    %sub3A_21 = vector.broadcast %sub3A : i32 to vector<1040x65xi32>
    %sub3A_22 = arith.subi %div3A_0, %sub3A_21 : vector<1040x65xi32>
    %select_n3A = arith.select %and3A, %sub3A_22, %div3A_0 : vector<1040x65xi1>, vector<1040x65xi32>
    %iota3A_23 = tpu.iota {dimensions = array<i32: 1>} : vector<1040x65xi32>
    %eq3A = arith.cmpi eq, %select_n3A, %iota3A_23 : vector<1040x65xi32>
    %convert_element_type3A = arith.extui %eq3A : vector<1040x65xi1> to vector<1040x65xi32>
    %convert_element_type3A_24 = arith.sitofp %convert_element_type3A : vector<1040x65xi32> to vector<1040x65xf32>
    %get3A = arith.constant 0 : index
    %get3A_25 = arith.constant 0 : index
    %get3A_26 = vector.load %arg2[%get3A, %get3A_25] : memref<32x1040xf32, #tpu.memory_space<vmem>>, vector<32x1040xf32>
    %slice3A = vector.extract_strided_slice %get3A_26 {offsets = [0, 0], sizes = [1, 1040], strides = [1, 1]} : vector<32x1040xf32> to vector<1x1040xf32>
    %dot_general3A = arith.constant dense<0.000000e+00> : vector<1x65xf32>
    %dot_general3A_27 = tpu.matmul %slice3A, %convert_element_type3A_24, %dot_general3A {dimension_numbers = #tpu.dot_dimension_numbers<[1], [0], [0], [1], [0, 0, 1, 1], [], []>, precision = #tpu.contract_precision<fp32>, transpose_lhs_hint = false} : vector<1x1040xf32>, vector<1040x65xf32>, vector<1x65xf32> -> vector<1x65xf32>
    %slice3A_28 = vector.extract_strided_slice %dot_general3A_27 {offsets = [0, 0], sizes = [1, 64], strides = [1, 1]} : vector<1x65xf32> to vector<1x64xf32>
    %max3A = arith.constant 1.000000e+00 : f32
    %max3A_29 = vector.broadcast %max3A : f32 to vector<1x64xf32>
    %max3A_30 = arith.maximumf %slice3A_28, %max3A_29 : vector<1x64xf32>
    %get3A_31 = arith.constant 0 : index
    %get3A_32 = arith.constant 0 : index
    %get3A_33 = vector.load %arg0[%get3A_31, %get3A_32] : memref<256x1040xf32, #tpu.memory_space<vmem>>, vector<256x1040xf32>
    %dot_general3A_34 = arith.constant dense<0.000000e+00> : vector<256x65xf32>
    %dot_general3A_35 = tpu.matmul %get3A_33, %convert_element_type3A_24, %dot_general3A_34 {dimension_numbers = #tpu.dot_dimension_numbers<[1], [0], [0], [1], [0, 0, 1, 1], [], []>, precision = #tpu.contract_precision<fp32>, transpose_lhs_hint = false} : vector<256x1040xf32>, vector<1040x65xf32>, vector<256x65xf32> -> vector<256x65xf32>
    %slice3A_36 = vector.extract_strided_slice %dot_general3A_35 {offsets = [0, 0], sizes = [256, 64], strides = [1, 1]} : vector<256x65xf32> to vector<256x64xf32>
    %div3A_37 = vector.broadcast %max3A_30 : vector<1x64xf32> to vector<256x64xf32>
    %div3A_38 = arith.divf %slice3A_36, %div3A_37 : vector<256x64xf32>
    %mul3A = arith.mulf %div3A_38, %div3A_38 : vector<256x64xf32>
    %reduce_sum3A = arith.constant dense<0.000000e+00> : vector<64xf32>
    %reduce_sum3A_39 = vector.multi_reduction <add>, %mul3A, %reduce_sum3A [0] : vector<256x64xf32> to vector<64xf32>
    %broadcast_in_dim3A = vector.shape_cast %reduce_sum3A_39 : vector<64xf32> to vector<1x64xf32>
    %sqrt3A = math.sqrt %broadcast_in_dim3A : vector<1x64xf32>
    %max3A_40 = arith.constant 9.99999996E-13 : f32
    %max3A_41 = vector.broadcast %max3A_40 : f32 to vector<1x64xf32>
    %max3A_42 = arith.maximumf %sqrt3A, %max3A_41 : vector<1x64xf32>
    %div3A_43 = vector.broadcast %max3A_42 : vector<1x64xf32> to vector<256x64xf32>
    %div3A_44 = arith.divf %div3A_38, %div3A_43 : vector<256x64xf32>
    %get3A_45 = arith.constant 0 : index
    %get3A_46 = arith.constant 0 : index
    %get3A_47 = vector.load %arg1[%get3A_45, %get3A_46] : memref<256x1040xf32, #tpu.memory_space<vmem>>, vector<256x1040xf32>
    %dot_general3A_48 = arith.constant dense<0.000000e+00> : vector<256x65xf32>
    %dot_general3A_49 = tpu.matmul %get3A_47, %convert_element_type3A_24, %dot_general3A_48 {dimension_numbers = #tpu.dot_dimension_numbers<[1], [0], [0], [1], [0, 0, 1, 1], [], []>, precision = #tpu.contract_precision<fp32>, transpose_lhs_hint = false} : vector<256x1040xf32>, vector<1040x65xf32>, vector<256x65xf32> -> vector<256x65xf32>
    %slice3A_50 = vector.extract_strided_slice %dot_general3A_49 {offsets = [0, 0], sizes = [256, 64], strides = [1, 1]} : vector<256x65xf32> to vector<256x64xf32>
    %div3A_51 = vector.broadcast %max3A_30 : vector<1x64xf32> to vector<256x64xf32>
    %div3A_52 = arith.divf %slice3A_50, %div3A_51 : vector<256x64xf32>
    %mul3A_53 = arith.mulf %div3A_52, %div3A_52 : vector<256x64xf32>
    %reduce_sum3A_54 = arith.constant dense<0.000000e+00> : vector<64xf32>
    %reduce_sum3A_55 = vector.multi_reduction <add>, %mul3A_53, %reduce_sum3A_54 [0] : vector<256x64xf32> to vector<64xf32>
    %broadcast_in_dim3A_56 = vector.shape_cast %reduce_sum3A_55 : vector<64xf32> to vector<1x64xf32>
    %sqrt3A_57 = math.sqrt %broadcast_in_dim3A_56 : vector<1x64xf32>
    %max3A_58 = arith.constant 9.99999996E-13 : f32
    %max3A_59 = vector.broadcast %max3A_58 : f32 to vector<1x64xf32>
    %max3A_60 = arith.maximumf %sqrt3A_57, %max3A_59 : vector<1x64xf32>
    %div3A_61 = vector.broadcast %max3A_60 : vector<1x64xf32> to vector<256x64xf32>
    %div3A_62 = arith.divf %div3A_52, %div3A_61 : vector<256x64xf32>
    %dot_general3A_63 = arith.constant dense<0.000000e+00> : vector<64x64xf32>
    %dot_general3A_64 = tpu.matmul %div3A_44, %div3A_44, %dot_general3A_63 {dimension_numbers = #tpu.dot_dimension_numbers<[0], [0], [1], [1], [0, 1, 1, 1], [], []>, precision = #tpu.contract_precision<fp32>, transpose_lhs_hint = false} : vector<256x64xf32>, vector<256x64xf32>, vector<64x64xf32> -> vector<64x64xf32>
    %dot_general3A_65 = arith.constant dense<0.000000e+00> : vector<64x64xf32>
    %dot_general3A_66 = tpu.matmul %div3A_62, %div3A_62, %dot_general3A_65 {dimension_numbers = #tpu.dot_dimension_numbers<[0], [0], [1], [1], [0, 1, 1, 1], [], []>, precision = #tpu.contract_precision<fp32>, transpose_lhs_hint = false} : vector<256x64xf32>, vector<256x64xf32>, vector<64x64xf32> -> vector<64x64xf32>
    %sub3A_67 = arith.subf %dot_general3A_64, %dot_general3A_66 : vector<64x64xf32>
    %mul3A_68 = arith.mulf %sub3A_67, %sub3A_67 : vector<64x64xf32>
    %reduce_sum3A_69 = vector.shape_cast %mul3A_68 : vector<64x64xf32> to vector<1x64x64xf32>
    %reduce_sum3A_70 = arith.constant dense<0.000000e+00> : vector<1xf32>
    %reduce_sum3A_71 = vector.multi_reduction <add>, %reduce_sum3A_69, %reduce_sum3A_70 [1, 2] : vector<1x64x64xf32> to vector<1xf32>
    %reduce_sum3A_72 = vector.shape_cast %reduce_sum3A_71 : vector<1xf32> to vector<1x1x1xf32>
    %reduce_sum3A_73 = vector.extract %reduce_sum3A_72[0, 0, 0] : f32 from vector<1x1x1xf32>
    %div3A_74 = arith.constant 4.096000e+03 : f32
    %div3A_75 = arith.divf %reduce_sum3A_73, %div3A_74 : f32
    %swap3A = arith.constant 0 : index
    %swap3A_76 = arith.constant 0 : index
    %swap3A_77 = memref.load %arg3[%swap3A, %swap3A_76] : memref<1x1xf32, #tpu.memory_space<smem>>
    memref.store %div3A_75, %arg3[%swap3A, %swap3A_76] : memref<1x1xf32, #tpu.memory_space<smem>>
    return
  }
}

</mosaic_0001>

<sc_bundles>
// kernel: kernel.4.cloned.1.call-start
scs
__scs_entry_jumppad:
0x0: {  	(pc) =	sbr.rel $0x88, $3  }
0x1: {  	(tag) =	ssettag $0x0;
	lr =	simm.s32 $0x1  }
0x2: {  	[smem:$0x3F9E] =	sst lr;
	_ =	strace $0xD0000000  }
0x3: {  	_ = 	snop  }
0x4: {  	_ = 	snop  }
0x5: {  	_ = 	snop  }
0x6: {  	_ = 	snop  }
0x7: {  	_ = 	snop  }
__scs_overlays_trampoline_lowered:
0x8: {  	[smem:$0x3FAD] =	sst s0  }
0x9: {  	[smem:$0x3FAE] =	sst s1  }
0xa: {  	[smem:$0x3FAF] =	sst s2  }
0xb: {  	[smem:$0x3FB0] =	sst s3  }
0xc: {  	[smem:$0x3FB1] =	sst s4  }
0xd: {  	[smem:$0x3FB2] =	sst s5  }
0xe: {  	[smem:$0x3FB3] =	sst s6  }
0xf: {  	[smem:$0x3FB4] =	sst s7  }
0x10: {  	[smem:$0x3FB5] =	sst s8  }
0x11: {  	[smem:$0x3FB6] =	sst s9;
	s0 =	simm.s32 @!p0 $0x0  }
0x12: {  	s1 =	sld [smem:$0x3F9C];
	s0 =	simm.s32 @p0 $0x1  }
0x13: {  	[smem:$0x3FB7] =	sst s0;
	s0 =	simm.s32 @!p1 $0x0  }
0x14: {  	s2 =	sld [smem:$0x3F9B];
	s0 =	simm.s32 @p1 $0x1  }
0x15: {  	[smem:$0x3FB8] =	sst s0;
	s0 =	simm.s32 @!p2 $0x0  }
0x16: {  	s3 =	sld [smem:$0x3FDB];
	s0 =	simm.s32 @p2 $0x1  }
0x17: {  	s4 =	simm.s32 $0x1BF5;
	[smem:$0x3FBA] =	sst s0  }
0x18: {  	s0 =	sld [smem:$0x3F9D];
	_ =	swait.ge [sflag:s4], $0x0  }
0x19: {  	s7 =	sld [smem:$0x3F9E]  }
0x1a: {  	s8 =	sadd.s32 $0xFFFFE003, lr  }
0x1b: {  	s9 =	sadd.s32 $0xFFFFFEF7, lr;
	s5 =	simm.s32 $0xFFFFFFFF;
	p2 =	slt.u32 s8, $0xFFFFF086  }
0x1c: {  	p1 =	slt.u32 s9, $0xF7A;
	s5 =	simm.s32 @!p2 $0x0  }
0x1d: {  	s5 =	simm.s32 @p1 $0x1;
	p0 =	seq.s32 s7, s2  }
0x1e: {  	s7 =	smul.u32 @!p0 $0xF7A, s2;
	p2 =	seq.s32 @!p0 s5, $0x0  }
0x1f: {  	s9 =	smul.u32 $0xF7A, s1;
	s8 =	simm.s32 @!p0 $0x1BF5;
	p2 =	por !p2, p0  }
0x20: {  	[sflag:s8] =	ssyncset.s32 @!p0 $0xFFFFF086;
	s6 =	sadd.s32 @!p0 s3, s7;
	s7 =	simm.s32 @!p0 $0x108  }
0x21: {  	s3 =	sadd.s32 s3, s9;
	s6 =	sadd.s32 @!p0 $0x88, s6;
	s7 =	simm.s32 @p2 $0x1082  }
0x22: {  	[simem:s7], [sflag:s8] =	dma.local @!p0 [hbm:s6], $0xF7A  }
0x23: {  	s9 =	sor.u32 $0xD0000000, s2;
	s6 =	simm.s32 $0x108;
	_ =	swait.ge @!p0 [sflag:s8], $0x0  }
0x24: {  	s3 =	sadd.s32 $0x88, s3;
	s6 =	simm.s32 @!p1 $0x1082;
	[sflag:s4] =	ssyncset.s32 $0xFFFFF086  }
0x25: {  	[simem:s6], [sflag:s4] =	dma.local [hbm:s3], $0xF7A  }
0x26: {  	[smem:$0x3F9E] =	sst s1;
	(tag) =	ssettag s2;
	_ =	strace s9  }
0x27: {  	s1 =	sld [smem:$0x3FAE]  }
0x28: {  	s2 =	sld [smem:$0x3FAF]  }
0x29: {  	s4 =	sld [smem:$0x3FB1]  }
0x2a: {  	p0 =	seq.s32 s5, $0x0;
	s5 =	sld [smem:$0x3FB2]  }
0x2b: {  	s6 =	sld [smem:$0x3FB3]  }
0x2c: {  	s7 =	sld [smem:$0x3FB4]  }
0x2d: {  	s3 =	simm.s32 $0x108;
	s8 =	sld [smem:$0x3FB5]  }
0x2e: {  	s3 =	simm.s32 @!p0 $0x1082;
	s9 =	sld [smem:$0x3FB6]  }
0x2f: {  	lr =	sadd.s32 s0, s3;
	s0 =	sld [smem:$0x3FAD]  }
0x30: {  	s3 =	sld [smem:$0x3FB0]  }
0x31: {  	[smem:$0x3FB9] =	sst s10  }
0x32: {  	s10 =	sld [smem:$0x3FB7];
	_ =	sdelay $0x3  }
0x33: {  	p0 =	seq.s32 s10, $0x1;
	s10 =	sld [smem:$0x3FB9];
	_ =	sdelay $0x3  }
0x34: {  	[smem:$0x3FB9] =	sst s10  }
0x35: {  	s10 =	sld [smem:$0x3FB8];
	_ =	sdelay $0x3  }
0x36: {  	p1 =	seq.s32 s10, $0x1;
	s10 =	sld [smem:$0x3FB9];
	_ =	sdelay $0x3  }
0x37: {  	[smem:$0x3FB9] =	sst s10  }
0x38: {  	s10 =	sld [smem:$0x3FBA]  }
0x39: {  	_ = 	snop;
	(pc) =	sbr.ind lr, $3  }
0x3a: {  	_ = 	snop  }
0x3b: {  	_ = 	snop  }
0x3c: {  	p2 =	seq.s32 s10, $0x1;
	s10 =	sld [smem:$0x3FB9]  }
0x3d: {  	_ =	shalt  }
0x3e: {  	_ =	shalt  }
0x3f: {  	_ =	shalt  }
0x40: {  	_ =	shalt  }
0x41: {  	_ =	shalt  }
0x42: {  	_ =	shalt  }
0x43: {  	_ =	shalt  }
0x44: {  	_ =	shalt  }
0x45: {  	_ =	shalt  }
0x46: {  	_ =	shalt  }
0x47: {  	_ =	shalt  }
0x48: {  	_ =	shalt  }
0x49: {  	_ =	shalt  }
0x4a: {  	_ =	shalt  }
0x4b: {  	_ =	shalt  }
0x4c: {  	_ =	shalt  }
0x4d: {  	_ =	shalt  }
0x4e: {  	_ =	shalt  }
0x4f: {  	_ =	shalt  }
0x50: {  	_ =	shalt  }
0x51: {  	_ =	shalt  }
0x52: {  	_ =	shalt  }
0x53: {  	_ =	shalt  }
0x54: {  	_ =	shalt  }
0x55: {  	_ =	shalt  }
0x56: {  	_ =	shalt  }
0x57: {  	_ =	shalt  }
0x58: {  	_ =	shalt  }
0x59: {  	_ =	shalt  }
0x5a: {  	_ =	shalt  }
0x5b: {  	_ =	shalt  }
0x5c: {  	_ =	shalt  }
0x5d: {  	_ =	shalt  }
0x5e: {  	_ =	shalt  }
0x5f: {  	_ =	shalt  }
0x60: {  	_ =	shalt  }
0x61: {  	_ =	shalt  }
0x62: {  	_ =	shalt  }
0x63: {  	_ =	shalt  }
0x64: {  	_ =	shalt  }
0x65: {  	_ =	shalt  }
0x66: {  	_ =	shalt  }
0x67: {  	_ =	shalt  }
0x68: {  	_ =	shalt  }
0x69: {  	_ =	shalt  }
0x6a: {  	_ =	shalt  }
0x6b: {  	_ =	shalt  }
0x6c: {  	_ =	shalt  }
0x6d: {  	_ =	shalt  }
0x6e: {  	_ =	shalt  }
0x6f: {  	_ =	shalt  }
0x70: {  	_ =	shalt  }
0x71: {  	_ =	shalt  }
0x72: {  	_ =	shalt  }
0x73: {  	_ =	shalt  }
0x74: {  	_ =	shalt  }
0x75: {  	_ =	shalt  }
0x76: {  	_ =	shalt  }
0x77: {  	_ =	shalt  }
0x78: {  	_ =	shalt  }
0x79: {  	_ =	shalt  }
0x7a: {  	_ =	shalt  }
0x7b: {  	_ =	shalt  }
0x7c: {  	_ =	shalt  }
0x7d: {  	_ =	shalt  }
0x7e: {  	_ =	shalt  }
0x7f: {  	_ =	shalt  }
0x80: {  	_ =	shalt  }
0x81: {  	_ =	shalt  }
0x82: {  	_ =	shalt  }
0x83: {  	_ =	shalt  }
0x84: {  	_ =	shalt  }
0x85: {  	_ =	shalt  }
0x86: {  	_ =	shalt  }
0x87: {  	_ =	shalt  }
.Lfunc_end0:
.L_simem_size_0:
called_computation_lowered:
.L_overlay_start_0:
0x88: {  	s2 =	sld [smem:$0x3FD9]  }
0x89: {  	s3 =	sld [smem:$0x3FFE];
	_ =	sdelay $0x1  }
0x8a: {  	s1 =	srdreg.scid  }
0x8b: {  	s0 =	sand.u32 $0x1, s1  }
0x8c: {  	s16 =	sshll.u32 s0, $0xA;
	s2 =	sadd.s32 s3, s2  }
0x8d: {  	s2 =	sadd.s32 s2, s16  }
0x8e: {  	[smem:$0x3FC5] =	sst s2  }
0x8f: {  	_ = 	snop  }
0x90: {  	(tm) =	ssettm $0x1  }
0x91: {  	s17 =	sld [smem:$0x3FFB];
	_ =	sdelay $0x3  }
0x92: {  	_ =	strace s17  }
0x93: {  	s2 =	sld [smem:$0x3FFC];
	_ =	sdelay $0x3  }
0x94: {  	_ =	strace s2  }
0x95: {  	s2 =	sld [smem:$0x3FFD];
	_ =	sdelay $0x3  }
0x96: {  	_ =	strace s2  }
0x97: {  	_ =	strace $0x8FFFFFFF  }
0x98: {  	s18 =	sld [smem:$0x3FDB];
	_ =	sdelay $0x1  }
0x99: {  	s19 =	simm.s32 $_scs_section_size  }
0x9a: {  	s4 =	simm.s32 $_size__tile_overlayer_lowered;
	s5 =	simm.s32 $_tile_overlayer_lowered  }
0x9b: {  	s22 =	simm.s32 $0x1BFF;
	s21 =	sshll.u32 s5, $0x1;
	s2 =	sadd.s32 s19, s18  }
0x9c: {  	s6 =	simm.s32 $0x0;
	s20 =	sshll.u32 s4, $0x1;
	s4 =	sadd.s32 s21, s2  }
0x9d: {  	[timem:s6], [sflag:s22] =	dma.local [hbm:s4], s20  }
0x9e: {  	_ =	swait.ge [sflag:s22], s20  }
0x9f: {  	s3 =	ssub.s32 $0x0, s20;
	[sflag:s22] =	ssyncset.done $0x0  }
0xa0: {  	[sflag:s22] =	ssyncadd.s32 s3;
	_ =	sdelay $0x1  }
0xa1: {  	s23 =	simm.s32 $0x1B8B  }
0xa2: {  	_ =	swait.ge [sflag:s23], $0x1  }
0xa3: {  	[sflag:s23] =	ssyncset.done $0x0  }
0xa4: {  	s25 =	simm.s32 $0x1B8E;
	s24 =	sld [smem:$0x3FFE];
	[sflag:s23] =	ssyncadd.s32 $0xFFFFFFFF  }
0xa5: {  	s26 =	simm.s32 $execute0_lowered;
	[smem:$0x3FD2] =	sst s25  }
0xa6: {  	s4 =	sshll.u32 s26, $0x1;
	_ =	strace $0x80000046;
	[dreg:$0x1] =	wrdreg $0xFFFFFFFF  }
0xa7: {  	s28 =	simm.s32 $_size_execute0_lowered;
	s2 =	sadd.s32 s2, s4;
	[dreg:$0x0] =	wrdreg $0x0  }
0xa8: {  	s4 =	sshll.u32 s28, $0x1;
	[dreg:$0x2] =	wrdreg s2  }
0xa9: {  	[dreg:$0x3] =	wrdreg s4  }
0xaa: {  	[dreg:$0x4] =	wrdreg $0xC0  }
0xab: {  	_ =	task [dreg:s6], $0x5FFFF  }
0xac: {  	[dreg:$0x1] =	wrdreg $0xFFFFFFFF  }
0xad: {  	[dreg:$0x0] =	wrdreg $0x60  }
0xae: {  	[dreg:$0x2] =	wrdreg s24  }
0xaf: {  	[dreg:$0x3] =	wrdreg $0x9  }
0xb0: {  	_ =	task.clear_ibuf [dreg:s6], $0x4FFFF;
	_ =	strace $0x90000046  }
0xb1: {  	s29 =	simm.s32 $0x9;
	_ =	strace $0x80000048  }
0xb2: {  	_ =	swait.ge [sflag:s29], $0x1  }
0xb3: {  	[sflag:s29] =	ssyncadd.s32 $0xFFFFFFFF  }
0xb4: {  	_ =	strace $0x90000048  }
0xb5: {  	_ =	sfence  }
0xb6: {  	s30 =	sld [smem:$0x0];
	_ =	sdelay $0x2  }
0xb7: {  	s31 =	sshll.u32 s1, $0xD;
	s1 =	sshrl.u32 s1, $0x2  }
0xb8: {  	s3 =	sand.u32 $0x4000, s31;
	s1 =	sadd.s32 s1, s30  }
0xb9: {  	s0 =	sor.u32 s3, s0;
	s1 =	sshll.u32 s1, $0x11  }
0xba: {  	s0 =	sor.u32 s1, s0  }
0xbb: {  	s0 =	sadd.s32 $0x8F2B, s0  }
0xbc: {  	[sflag:s0] =	ssyncadd.remote.s32 $0x1  }
0xbd: {  	_ =	sfence.sel $0xFFFF  }
0xbe: {  	[dreg:$0x0] =	wrdreg $0xFFFFFFFF;
	(pc) =	sbr.abs _section_cstart, $3  }
0xbf: {  	[dreg:$0x1] =	wrdreg $0xFFFFFFFF  }
0xc0: {  	_ =	task.clear_ibuf [dreg:s6], $0x2FFFF;
	_ =	strace $0x9FFFFFFF  }
0xc1: {  	(tm) =	ssettm $0x7FFFFFFF  }
tec
execute0_lowered:
.L_overlay_start_1:
0x0: {  	(tag) =	ssettag $0x1  }
0x1: {  	s11 =	rddreg [dreg:$0x0]  }
0x2: {  	s0 =	srdreg.scid;
	s12 =	stileid.u32;
	s1 =	simm.s32 $0x0  }
0x3: {  	s7 =	sand.u32 $0x1, s0;
	s2 =	sshll.u32 s12, $0x1;
	[smem:$0x7FF] =	sst s1  }
0x4: {  	s0 =	sadd.s32 $0x3600, s11;
	s4 =	sshrl.u32 s12, $0x2;
	s2 =	sor.u32 s7, s2  }
0x5: {  	s3 =	sadd.s32 $0x2BF600, s11;
	s5 =	sshll.u32 s2, $0x7;
	s2 =	smul.u32 $0x2BC00, s2  }
0x6: {  	s28 =	sadd.s32 $0x1CC0, s11;
	s29 =	sadd.s32 $0x1E50, s11;
	s30 =	sadd.s32 $0x1FE0, s11  }
0x7: {  	s31 =	sadd.s32 $0x2170, s11;
	s13 =	smul.u32 $0x10400, s4;
	s6 =	sshrl.u32 s2, $0x3  }
0x8: {  	s4 =	smul.u32 $0x2400, s4;
	s8 =	sand.u32 $0x380, s5;
	s10 =	sadd.s32 $0xAF000, s6  }
0x9: {  	s9 =	ssub.s32 $0x2, s7;
	s5 =	sor.u32 s13, s8;
	s15 =	sadd.s32 s0, s10  }
0xa: {  	s17 =	sadd.s32 $0xAFC80, s6;
	s16 =	sadd.s32 s3, s10;
	[dreg:$0x2] =	wrdreg s15  }
0xb: {  	s4 =	sor.u32 s4, s8;
	s19 =	sadd.s32 s0, s17;
	[dreg:$0x3] =	wrdreg s16  }
0xc: {  	s18 =	sadd.s32 $0xB0900, s6;
	s8 =	sadd.s32 s3, s17;
	[dreg:$0x4] =	wrdreg s19  }
0xd: {  	s14 =	sshrl.u32 s9, $0x1;
	s20 =	sadd.s32 s0, s18;
	[dreg:$0x5] =	wrdreg s8  }
0xe: {  	s22 =	sadd.s32 $0xB1580, s6;
	s21 =	sadd.s32 s3, s18;
	[dreg:$0x6] =	wrdreg s20  }
0xf: {  	s23 =	sadd.s32 $0xB2200, s6;
	s24 =	sadd.s32 s0, s22;
	[dreg:$0x7] =	wrdreg s21  }
0x10: {  	s2 =	ssub.s32 s9, s14;
	s25 =	sadd.s32 s0, s23;
	[dreg:$0x8] =	wrdreg s24  }
0x11: {  	s9 =	sadd.s32 $0xB2E80, s6;
	s26 =	sadd.s32 s3, s23;
	[dreg:$0xa] =	wrdreg s25  }
0x12: {  	s7 =	smul.u32 $0x2BC00, s7;
	s14 =	sadd.s32 s0, s9;
	[dreg:$0xb] =	wrdreg s26  }
0x13: {  	s17 =	sadd.s32 $0x15E000, s6;
	s8 =	sadd.s32 s3, s22;
	[dreg:$0xc] =	wrdreg s14  }
0x14: {  	s13 =	smul.u32 $0x57800, s12;
	s18 =	sadd.s32 s0, s17;
	[dreg:$0x9] =	wrdreg s8  }
0x15: {  	s15 =	sadd.s32 $0xB3B00, s6;
	s8 =	sadd.s32 s3, s9;
	[dreg:$0x10] =	wrdreg s18  }
0x16: {  	s7 =	sadd.s32 s7, s13;
	s16 =	sadd.s32 s0, s15;
	[dreg:$0xd] =	wrdreg s8  }
0x17: {  	s19 =	sadd.s32 $0x15EC80, s6;
	s10 =	sadd.s32 s3, s15;
	[dreg:$0xe] =	wrdreg s16  }
0x18: {  	s20 =	sadd.s32 $0x15F900, s6;
	s21 =	sadd.s32 s0, s19;
	[dreg:$0xf] =	wrdreg s10  }
0x19: {  	s13 =	sadd.s32 $0x161E80, s6;
	s22 =	sadd.s32 s0, s20;
	[dreg:$0x12] =	wrdreg s21  }
0x1a: {  	s24 =	sadd.s32 $0x160580, s6;
	s23 =	sadd.s32 s3, s20;
	[dreg:$0x14] =	wrdreg s22  }
0x1b: {  	s25 =	sadd.s32 $0x161200, s6;
	s26 =	sadd.s32 s0, s24;
	[dreg:$0x15] =	wrdreg s23  }
0x1c: {  	s14 =	sadd.s32 $0x162B00, s6;
	s12 =	sadd.s32 s3, s25;
	[dreg:$0x16] =	wrdreg s26  }
0x1d: {  	s7 =	sshrl.u32 s7, $0x3;
	s15 =	sadd.s32 s0, s13;
	[dreg:$0x19] =	wrdreg s12  }
0x1e: {  	s18 =	sadd.s32 $0x20D000, s6;
	s8 =	sadd.s32 s3, s17;
	[dreg:$0x1a] =	wrdreg s15  }
0x1f: {  	s9 =	sadd.s32 $0x3110, s11;
	s10 =	sadd.s32 s0, s25;
	[dreg:$0x11] =	wrdreg s8  }
0x20: {  	s16 =	sadd.s32 s0, s14;
	s17 =	sadd.s32 s3, s14;
	[dreg:$0x18] =	wrdreg s10  }
0x21: {  	s20 =	sadd.s32 s0, s18;
	s23 =	sadd.s32 $0x20E900, s6;
	[dreg:$0x1c] =	wrdreg s16  }
0x22: {  	s12 =	sadd.s32 $0x210200, s6;
	s8 =	sadd.s32 s3, s19;
	[dreg:$0x1d] =	wrdreg s17  }
0x23: {  	s19 =	sadd.s32 $0x20DC80, s6;
	[dreg:$0x1e] =	wrdreg s20;
	s25 =	sadd.s32 s0, s23  }
0x24: {  	s14 =	sadd.s32 s0, s12;
	[dreg:$0x13] =	wrdreg s8;
	s8 =	sadd.s32 s3, s24  }
0x25: {  	s21 =	sadd.s32 s0, s19;
	s22 =	sadd.s32 s3, s19;
	[smem:$0x7EC] =	sst s25  }
0x26: {  	s24 =	sadd.s32 $0x20F580, s6;
	[smem:$0x7F0] =	sst s14;
	s14 =	sadd.s32 s7, s3  }
0x27: {  	s19 =	sshrl.u32 s4, $0x3;
	s25 =	sadd.s32 $0x1680, s11;
	[dreg:$0x17] =	wrdreg s8  }
0x28: {  	s4 =	sadd.s32 $0x27B0, s11;
	s8 =	sadd.s32 s3, s13;
	[smem:$0x7EA] =	sst s21  }
0x29: {  	[smem:$0x7EB] =	sst s22;
	s26 =	sadd.s32 s0, s24;
	s10 =	sadd.s32 s3, s24  }
0x2a: {  	s13 =	sadd.s32 $0x210E80, s6;
	s6 =	sadd.s32 $0x211B00, s6;
	[dreg:$0x1b] =	wrdreg s8  }
0x2b: {  	s22 =	smax.u32 s2, $0x1;
	s24 =	sadd.s32 $0x14F0, s11;
	[smem:$0x7EE] =	sst s26  }
0x2c: {  	s2 =	sadd.s32 $0x2490, s11;
	s8 =	sadd.s32 s3, s18;
	[smem:$0x7EF] =	sst s10  }
0x2d: {  	s15 =	sadd.s32 s0, s13;
	s16 =	sadd.s32 s3, s13;
	[dreg:$0x1f] =	wrdreg s8  }
0x2e: {  	s17 =	sadd.s32 s0, s6;
	s6 =	sadd.s32 s3, s6;
	[smem:$0x7F2] =	sst s15  }
0x2f: {  	s18 =	sshrl.u32 s5, $0x3;
	s26 =	sadd.s32 $0x1810, s11;
	[smem:$0x7F3] =	sst s16  }
0x30: {  	s5 =	sadd.s32 $0x2940, s11;
	s8 =	sadd.s32 s3, s23;
	[smem:$0x7F4] =	sst s17  }
0x31: {  	[smem:$0x7F5] =	sst s6;
	s15 =	sadd.s32 s7, s0;
	s0 =	sadd.s32 s18, s11  }
0x32: {  	[smem:$0x7ED] =	sst s8;
	s8 =	sadd.s32 s3, s12;
	s20 =	sadd.s32 $0x57B600, s0  }
0x33: {  	s10 =	sadd.s32 $0x32A0, s11;
	s0 =	sadd.s32 $0x583800, s0;
	[smem:$0x7F1] =	sst s8  }
0x34: {  	s3 =	sadd.s32 s19, s11;
	_ =	strace $0x80000047;
	[smem:$0x7F6] =	sst s20  }
0x35: {  	s13 =	simm.s32 $0x1;
	s21 =	sadd.s32 $0x58BA00, s3;
	[smem:$0x7F7] =	sst s0  }
0x36: {  	s23 =	sadd.s32 $0x2AD0, s11;
	s6 =	sadd.s32 $0x2C60, s11;
	[smem:$0x7F8] =	sst s21  }
0x37: {  	s7 =	sadd.s32 $0x2DF0, s11;
	s16 =	simm.s32 $0x6400;
	[smem:$0x7F9] =	sst s22  }
0x38: {  	s17 =	simm.s32 $0x80;
	s18 =	simm.s32 $0x400;
	[smem:$0x7FA] =	sst s23  }
0x39: {  	s12 =	simm.s32 $0xC800;
	s19 =	simm.s32 $0x0;
	[smem:$0x7FB] =	sst s24  }
0x3a: {  	s3 =	sadd.s32 $0x2620, s11;
	s8 =	sadd.s32 $0x2F80, s11;
	[smem:$0x7FC] =	sst s25  }
0x3b: {  	s22 =	sadd.s32 $0xA00, s11;
	[smem:$0x7FD] =	sst s26;
	s25 =	sadd.s32 $0x19A0, s11  }
0x3c: {  	v0 =	vimm.f32 $0.0e+00;
	s26 =	sadd.s32 $0x1B30, s11;
	s0 =	sadd.s32 $0x2300, s11;
	s11 =	sadd.s32 $0x3430, s11  }
.LBB2_1:
0x3d: {  	s20 =	simm.s32 $0x40;
	s21 =	simm.s32 $0x0  }
.LBB2_2:
0x3e: {  	p0 =	sne.s32 s20, $0x81C0;
	[tilespmem:s21+$0xD480] =	vst v0;
	s23 =	smov.u32 s20;
	s20 =	sadd.s32 $0x40, s20  }
.Ltmp0:
0x3f: {  	[tilespmem:s21+$0xF500] =	vst v0;
	(pc) =	sbr.rel @p0 .LBB2_2-.Ltmp0, $2  }
0x40: {  	_ =	sdelay $0x2  }
0x41: {  	s21 =	sshra.s32 s23, $0x2  }
0x42: {  	[tilespmem:s21+$0xD480] =	vst v0  }
0x43: {  	[tilespmem:s21+$0xF500] =	vst v0;
	s20 =	simm.s32 $0x40;
	s21 =	simm.s32 $0x0  }
.LBB2_4:
0x44: {  	p0 =	seq.s32 s20, $0x1000;
	[tilespmem:s21+$0x11580] =	vst v0;
	s21 =	smov.u32 s20;
	s20 =	sadd.s32 $0x40, s20  }
.Ltmp1:
0x45: {  	(pc) =	sbr.rel @!p0 .LBB2_4-.Ltmp1, $2  }
0x46: {  	_ =	sdelay $0x2  }
0x47: {  	s21 =	sshra.s32 s21, $0x2  }
0x48: {  	[tilespmem:s21+$0x11580] =	vst v0  }
0x49: {  	[tilespmem:s12], [sflag:$0x1] =	stream.linear.gather [hbm4b:s22+s1], $0xC80, $0x38;
	[tilespmem:$0x11A00] =	vst v63  }
0x4a: {  	_ =	swait.ge [sflag:s13], $0xC80  }
0x4b: {  	[sflag:s13] =	ssyncset.done $0x0  }
0x4c: {  	s20 =	sadd.s32 $0x0, s15;
	[sflag:s13] =	ssyncadd.s32 $0xFFFFF380  }
0x4d: {  	[tilespmem:s1], [sflag:$0x1] =	stream.linear.gather [hbm4b:s20+s1], $0x6400, $0x38;
	[tilespmem:$0x11A00] =	vst v63  }
0x4e: {  	_ =	swait.ge [sflag:s13], $0x6400  }
0x4f: {  	[sflag:s13] =	ssyncset.done $0x0  }
0x50: {  	s24 =	sadd.s32 $0x0, s14;
	[sflag:s13] =	ssyncadd.s32 $0xFFFF9C00  }
0x51: {  	[tilespmem:s16], [sflag:$0x1] =	stream.linear.gather [hbm4b:s24+s1], $0x6400, $0x38;
	[tilespmem:$0x11A00] =	vst v63  }
0x52: {  	_ =	swait.ge [sflag:s13], $0x6400  }
0x53: {  	s21 =	simm.s32 $0xC80;
	s20 =	smov.u32 s22;
	[sflag:s13] =	ssyncset.done $0x0  }
.LBB2_6:
0x54: {  	p0 =	seq.s32 s21, $0x4B00;
	[sflag:s13] =	ssyncadd.s32 $0xFFFF9C00;
	s20 =	sadd.s32 $0x190, s20  }
0x55: {  	[tilespmem:s12], [sflag:$0x1] =	stream.linear.gather [hbm4b:s20+s1], $0xC80, $0x38;
	[tilespmem:$0x11A00] =	vst v63  }
0x56: {  	s23 =	smov.u32 s21;
	s21 =	sadd.s32 $0xC80, s21;
	_ =	swait.ge [sflag:s13], $0xC80  }
0x57: {  	[sflag:s13] =	ssyncset.done $0x0  }
0x58: {  	s24 =	sadd.s32 s23, s15;
	[sflag:s13] =	ssyncadd.s32 $0xFFFFF380  }
0x59: {  	[tilespmem:s1], [sflag:$0x1] =	stream.linear.gather [hbm4b:s24+s1], $0x6400, $0x38;
	[tilespmem:$0x11A00] =	vst v63  }
0x5a: {  	_ =	swait.ge [sflag:s13], $0x6400  }
.Ltmp2:
0x5b: {  	[sflag:s13] =	ssyncset.done $0x0;
	(pc) =	sbr.rel @!p0 .LBB2_6-.Ltmp2, $4  }
0x5c: {  	s23 =	sadd.s32 s23, s14;
	[sflag:s13] =	ssyncadd.s32 $0xFFFF9C00  }
0x5d: {  	[tilespmem:s16], [sflag:$0x1] =	stream.linear.gather [hbm4b:s23+s1], $0x6400, $0x38;
	[tilespmem:$0x11A00] =	vst v63  }
0x5e: {  	_ =	swait.ge [sflag:s13], $0x6400  }
0x5f: {  	[sflag:s13] =	ssyncset.done $0x0  }
0x60: {  	s20 =	sld [smem:$0x7FB];
	_ =	sdelay $0x1  }
0x61: {  	[sflag:s13] =	ssyncadd.s32 $0xFFFF9C00  }
0x62: {  	[tilespmem:s12], [sflag:$0x1] =	stream.linear.gather [hbm4b:s20+s1], $0xC80, $0x38;
	[tilespmem:$0x11A00] =	vst v63  }
0x63: {  	_ =	swait.ge [sflag:s13], $0xC80  }
0x64: {  	[sflag:s13] =	ssyncset.done $0x0  }
0x65: {  	s24 =	rddreg [dreg:$0x2];
	[sflag:s13] =	ssyncadd.s32 $0xFFFFF380  }
0x66: {  	[tilespmem:s1], [sflag:$0x1] =	stream.linear.gather [hbm4b:s24+s1], $0x6400, $0x38;
	[tilespmem:$0x11A00] =	vst v63  }
0x67: {  	_ =	swait.ge [sflag:s13], $0x6400  }
0x68: {  	[sflag:s13] =	ssyncset.done $0x0  }
0x69: {  	s21 =	rddreg [dreg:$0x3];
	[sflag:s13] =	ssyncadd.s32 $0xFFFF9C00  }
0x6a: {  	[tilespmem:s16], [sflag:$0x1] =	stream.linear.gather [hbm4b:s21+s1], $0x6400, $0x38;
	[tilespmem:$0x11A00] =	vst v63  }
0x6b: {  	_ =	swait.ge [sflag:s13], $0x6400  }
0x6c: {  	s23 =	sld [smem:$0x7FC]  }
0x6d: {  	[sflag:s13] =	ssyncset.done $0x0  }
0x6e: {  	[sflag:s13] =	ssyncadd.s32 $0xFFFF9C00  }
0x6f: {  	[tilespmem:s12], [sflag:$0x1] =	stream.linear.gather [hbm4b:s23+s1], $0xC80, $0x38;
	[tilespmem:$0x11A00] =	vst v63  }
0x70: {  	_ =	swait.ge [sflag:s13], $0xC80  }
0x71: {  	[sflag:s13] =	ssyncset.done $0x0  }
0x72: {  	s24 =	rddreg [dreg:$0x4];
	[sflag:s13] =	ssyncadd.s32 $0xFFFFF380  }
0x73: {  	[tilespmem:s1], [sflag:$0x1] =	stream.linear.gather [hbm4b:s24+s1], $0x6400, $0x38;
	[tilespmem:$0x11A00] =	vst v63  }
0x74: {  	_ =	swait.ge [sflag:s13], $0x6400  }
0x75: {  	[sflag:s13] =	ssyncset.done $0x0  }
0x76: {  	s21 =	rddreg [dreg:$0x5];
	[sflag:s13] =	ssyncadd.s32 $0xFFFF9C00  }
0x77: {  	[tilespmem:s16], [sflag:$0x1] =	stream.linear.gather [hbm4b:s21+s1], $0x6400, $0x38;
	[tilespmem:$0x11A00] =	vst v63  }
0x78: {  	_ =	swait.ge [sflag:s13], $0x6400  }
0x79: {  	s23 =	sld [smem:$0x7FD]  }
0x7a: {  	[sflag:s13] =	ssyncset.done $0x0  }
0x7b: {  	[sflag:s13] =	ssyncadd.s32 $0xFFFF9C00  }
0x7c: {  	[tilespmem:s12], [sflag:$0x1] =	stream.linear.gather [hbm4b:s23+s1], $0xC80, $0x38;
	[tilespmem:$0x11A00] =	vst v63  }
0x7d: {  	_ =	swait.ge [sflag:s13], $0xC80  }
0x7e: {  	[sflag:s13] =	ssyncset.done $0x0  }
0x7f: {  	s24 =	rddreg [dreg:$0x6];
	[sflag:s13] =	ssyncadd.s32 $0xFFFFF380  }
0x80: {  	[tilespmem:s1], [sflag:$0x1] =	stream.linear.gather [hbm4b:s24+s1], $0x6400, $0x38;
	[tilespmem:$0x11A00] =	vst v63  }
0x81: {  	_ =	swait.ge [sflag:s13], $0x6400  }
0x82: {  	[sflag:s13] =	ssyncset.done $0x0  }
0x83: {  	s21 =	rddreg [dreg:$0x7];
	[sflag:s13] =	ssyncadd.s32 $0xFFFF9C00  }
0x84: {  	[tilespmem:s16], [sflag:$0x1] =	stream.linear.gather [hbm4b:s21+s1], $0x6400, $0x38;
	[tilespmem:$0x11A00] =	vst v63  }
0x85: {  	_ =	swait.ge [sflag:s13], $0x6400  }
0x86: {  	[sflag:s13] =	ssyncset.done $0x0  }
0x87: {  	[sflag:s13] =	ssyncadd.s32 $0xFFFF9C00  }
0x88: {  	[tilespmem:s12], [sflag:$0x1] =	stream.linear.gather [hbm4b:s25+s1], $0xC80, $0x38;
	[tilespmem:$0x11A00] =	vst v63  }
0x89: {  	_ =	swait.ge [sflag:s13], $0xC80  }
0x8a: {  	[sflag:s13] =	ssyncset.done $0x0  }
0x8b: {  	s23 =	rddreg [dreg:$0x8];
	[sflag:s13] =	ssyncadd.s32 $0xFFFFF380  }
0x8c: {  	[tilespmem:s1], [sflag:$0x1] =	stream.linear.gather [hbm4b:s23+s1], $0x6400, $0x38;
	[tilespmem:$0x11A00] =	vst v63  }
0x8d: {  	_ =	swait.ge [sflag:s13], $0x6400  }
0x8e: {  	[sflag:s13] =	ssyncset.done $0x0  }
0x8f: {  	s24 =	rddreg [dreg:$0x9];
	[sflag:s13] =	ssyncadd.s32 $0xFFFF9C00  }
0x90: {  	[tilespmem:s16], [sflag:$0x1] =	stream.linear.gather [hbm4b:s24+s1], $0x6400, $0x38;
	[tilespmem:$0x11A00] =	vst v63  }
0x91: {  	_ =	swait.ge [sflag:s13], $0x6400  }
0x92: {  	[sflag:s13] =	ssyncset.done $0x0  }
0x93: {  	[sflag:s13] =	ssyncadd.s32 $0xFFFF9C00  }
0x94: {  	[tilespmem:s12], [sflag:$0x1] =	stream.linear.gather [hbm4b:s26+s1], $0xC80, $0x38;
	[tilespmem:$0x11A00] =	vst v63  }
0x95: {  	_ =	swait.ge [sflag:s13], $0xC80  }
0x96: {  	[sflag:s13] =	ssyncset.done $0x0  }
0x97: {  	s21 =	rddreg [dreg:$0xa];
	[sflag:s13] =	ssyncadd.s32 $0xFFFFF380  }
0x98: {  	[tilespmem:s1], [sflag:$0x1] =	stream.linear.gather [hbm4b:s21+s1], $0x6400, $0x38;
	[tilespmem:$0x11A00] =	vst v63  }
0x99: {  	_ =	swait.ge [sflag:s13], $0x6400  }
0x9a: {  	[sflag:s13] =	ssyncset.done $0x0  }
0x9b: {  	s23 =	rddreg [dreg:$0xb];
	[sflag:s13] =	ssyncadd.s32 $0xFFFF9C00  }
0x9c: {  	[tilespmem:s16], [sflag:$0x1] =	stream.linear.gather [hbm4b:s23+s1], $0x6400, $0x38;
	[tilespmem:$0x11A00] =	vst v63  }
0x9d: {  	_ =	swait.ge [sflag:s13], $0x6400  }
0x9e: {  	[sflag:s13] =	ssyncset.done $0x0  }
0x9f: {  	[sflag:s13] =	ssyncadd.s32 $0xFFFF9C00  }
0xa0: {  	[tilespmem:s12], [sflag:$0x1] =	stream.linear.gather [hbm4b:s28+s1], $0xC80, $0x38;
	[tilespmem:$0x11A00] =	vst v63  }
0xa1: {  	_ =	swait.ge [sflag:s13], $0xC80  }
0xa2: {  	[sflag:s13] =	ssyncset.done $0x0  }
0xa3: {  	s24 =	rddreg [dreg:$0xc];
	[sflag:s13] =	ssyncadd.s32 $0xFFFFF380  }
0xa4: {  	[tilespmem:s1], [sflag:$0x1] =	stream.linear.gather [hbm4b:s24+s1], $0x6400, $0x38;
	[tilespmem:$0x11A00] =	vst v63  }
0xa5: {  	_ =	swait.ge [sflag:s13], $0x6400  }
0xa6: {  	[sflag:s13] =	ssyncset.done $0x0  }
0xa7: {  	s21 =	rddreg [dreg:$0xd];
	[sflag:s13] =	ssyncadd.s32 $0xFFFF9C00  }
0xa8: {  	[tilespmem:s16], [sflag:$0x1] =	stream.linear.gather [hbm4b:s21+s1], $0x6400, $0x38;
	[tilespmem:$0x11A00] =	vst v63  }
0xa9: {  	_ =	swait.ge [sflag:s13], $0x6400  }
0xaa: {  	[sflag:s13] =	ssyncset.done $0x0  }
0xab: {  	[sflag:s13] =	ssyncadd.s32 $0xFFFF9C00  }
0xac: {  	[tilespmem:s12], [sflag:$0x1] =	stream.linear.gather [hbm4b:s29+s1], $0xC80, $0x38;
	[tilespmem:$0x11A00] =	vst v63  }
0xad: {  	_ =	swait.ge [sflag:s13], $0xC80  }
0xae: {  	[sflag:s13] =	ssyncset.done $0x0  }
0xaf: {  	s23 =	rddreg [dreg:$0xe];
	[sflag:s13] =	ssyncadd.s32 $0xFFFFF380  }
0xb0: {  	[tilespmem:s1], [sflag:$0x1] =	stream.linear.gather [hbm4b:s23+s1], $0x6400, $0x38;
	[tilespmem:$0x11A00] =	vst v63  }
0xb1: {  	_ =	swait.ge [sflag:s13], $0x6400  }
0xb2: {  	[sflag:s13] =	ssyncset.done $0x0  }
0xb3: {  	s24 =	rddreg [dreg:$0xf];
	[sflag:s13] =	ssyncadd.s32 $0xFFFF9C00  }
0xb4: {  	[tilespmem:s16], [sflag:$0x1] =	stream.linear.gather [hbm4b:s24+s1], $0x6400, $0x38;
	[tilespmem:$0x11A00] =	vst v63  }
0xb5: {  	_ =	swait.ge [sflag:s13], $0x6400  }
0xb6: {  	[sflag:s13] =	ssyncset.done $0x0  }
0xb7: {  	[sflag:s13] =	ssyncadd.s32 $0xFFFF9C00  }
0xb8: {  	[tilespmem:s12], [sflag:$0x1] =	stream.linear.gather [hbm4b:s30+s1], $0xC80, $0x38;
	[tilespmem:$0x11A00] =	vst v63  }
0xb9: {  	_ =	swait.ge [sflag:s13], $0xC80  }
0xba: {  	[sflag:s13] =	ssyncset.done $0x0  }
0xbb: {  	s21 =	rddreg [dreg:$0x10];
	[sflag:s13] =	ssyncadd.s32 $0xFFFFF380  }
0xbc: {  	[tilespmem:s1], [sflag:$0x1] =	stream.linear.gather [hbm4b:s21+s1], $0x6400, $0x38;
	[tilespmem:$0x11A00] =	vst v63  }
0xbd: {  	_ =	swait.ge [sflag:s13], $0x6400  }
0xbe: {  	[sflag:s13] =	ssyncset.done $0x0  }
0xbf: {  	s23 =	rddreg [dreg:$0x11];
	[sflag:s13] =	ssyncadd.s32 $0xFFFF9C00  }
0xc0: {  	[tilespmem:s16], [sflag:$0x1] =	stream.linear.gather [hbm4b:s23+s1], $0x6400, $0x38;
	[tilespmem:$0x11A00] =	vst v63  }
0xc1: {  	_ =	swait.ge [sflag:s13], $0x6400  }
0xc2: {  	[sflag:s13] =	ssyncset.done $0x0  }
0xc3: {  	[sflag:s13] =	ssyncadd.s32 $0xFFFF9C00  }
0xc4: {  	[tilespmem:s12], [sflag:$0x1] =	stream.linear.gather [hbm4b:s31+s1], $0xC80, $0x38;
	[tilespmem:$0x11A00] =	vst v63  }
0xc5: {  	_ =	swait.ge [sflag:s13], $0xC80  }
0xc6: {  	[sflag:s13] =	ssyncset.done $0x0  }
0xc7: {  	s24 =	rddreg [dreg:$0x12];
	[sflag:s13] =	ssyncadd.s32 $0xFFFFF380  }
0xc8: {  	[tilespmem:s1], [sflag:$0x1] =	stream.linear.gather [hbm4b:s24+s1], $0x6400, $0x38;
	[tilespmem:$0x11A00] =	vst v63  }
0xc9: {  	_ =	swait.ge [sflag:s13], $0x6400  }
0xca: {  	[sflag:s13] =	ssyncset.done $0x0  }
0xcb: {  	s21 =	rddreg [dreg:$0x13];
	[sflag:s13] =	ssyncadd.s32 $0xFFFF9C00  }
0xcc: {  	[tilespmem:s16], [sflag:$0x1] =	stream.linear.gather [hbm4b:s21+s1], $0x6400, $0x38;
	[tilespmem:$0x11A00] =	vst v63  }
0xcd: {  	_ =	swait.ge [sflag:s13], $0x6400  }
0xce: {  	[sflag:s13] =	ssyncset.done $0x0  }
0xcf: {  	[sflag:s13] =	ssyncadd.s32 $0xFFFF9C00  }
0xd0: {  	[tilespmem:s12], [sflag:$0x1] =	stream.linear.gather [hbm4b:s0+s1], $0xC80, $0x38;
	[tilespmem:$0x11A00] =	vst v63  }
0xd1: {  	_ =	swait.ge [sflag:s13], $0xC80  }
0xd2: {  	[sflag:s13] =	ssyncset.done $0x0  }
0xd3: {  	s23 =	rddreg [dreg:$0x14];
	[sflag:s13] =	ssyncadd.s32 $0xFFFFF380  }
0xd4: {  	[tilespmem:s1], [sflag:$0x1] =	stream.linear.gather [hbm4b:s23+s1], $0x6400, $0x38;
	[tilespmem:$0x11A00] =	vst v63  }
0xd5: {  	_ =	swait.ge [sflag:s13], $0x6400  }
0xd6: {  	[sflag:s13] =	ssyncset.done $0x0  }
0xd7: {  	s24 =	rddreg [dreg:$0x15];
	[sflag:s13] =	ssyncadd.s32 $0xFFFF9C00  }
0xd8: {  	[tilespmem:s16], [sflag:$0x1] =	stream.linear.gather [hbm4b:s24+s1], $0x6400, $0x38;
	[tilespmem:$0x11A00] =	vst v63  }
0xd9: {  	_ =	swait.ge [sflag:s13], $0x6400  }
0xda: {  	[sflag:s13] =	ssyncset.done $0x0  }
0xdb: {  	[sflag:s13] =	ssyncadd.s32 $0xFFFF9C00  }
0xdc: {  	[tilespmem:s12], [sflag:$0x1] =	stream.linear.gather [hbm4b:s2+s1], $0xC80, $0x38;
	[tilespmem:$0x11A00] =	vst v63  }
0xdd: {  	_ =	swait.ge [sflag:s13], $0xC80  }
0xde: {  	[sflag:s13] =	ssyncset.done $0x0  }
0xdf: {  	s21 =	rddreg [dreg:$0x16];
	[sflag:s13] =	ssyncadd.s32 $0xFFFFF380  }
0xe0: {  	[tilespmem:s1], [sflag:$0x1] =	stream.linear.gather [hbm4b:s21+s1], $0x6400, $0x38;
	[tilespmem:$0x11A00] =	vst v63  }
0xe1: {  	_ =	swait.ge [sflag:s13], $0x6400  }
0xe2: {  	[sflag:s13] =	ssyncset.done $0x0  }
0xe3: {  	s23 =	rddreg [dreg:$0x17];
	[sflag:s13] =	ssyncadd.s32 $0xFFFF9C00  }
0xe4: {  	[tilespmem:s16], [sflag:$0x1] =	stream.linear.gather [hbm4b:s23+s1], $0x6400, $0x38;
	[tilespmem:$0x11A00] =	vst v63  }
0xe5: {  	_ =	swait.ge [sflag:s13], $0x6400  }
0xe6: {  	[sflag:s13] =	ssyncset.done $0x0  }
0xe7: {  	[sflag:s13] =	ssyncadd.s32 $0xFFFF9C00  }
0xe8: {  	[tilespmem:s12], [sflag:$0x1] =	stream.linear.gather [hbm4b:s3+s1], $0xC80, $0x38;
	[tilespmem:$0x11A00] =	vst v63  }
0xe9: {  	_ =	swait.ge [sflag:s13], $0xC80  }
0xea: {  	[sflag:s13] =	ssyncset.done $0x0  }
0xeb: {  	s24 =	rddreg [dreg:$0x18];
	[sflag:s13] =	ssyncadd.s32 $0xFFFFF380  }
0xec: {  	[tilespmem:s1], [sflag:$0x1] =	stream.linear.gather [hbm4b:s24+s1], $0x6400, $0x38;
	[tilespmem:$0x11A00] =	vst v63  }
0xed: {  	_ =	swait.ge [sflag:s13], $0x6400  }
0xee: {  	[sflag:s13] =	ssyncset.done $0x0  }
0xef: {  	s21 =	rddreg [dreg:$0x19];
	[sflag:s13] =	ssyncadd.s32 $0xFFFF9C00  }
0xf0: {  	[tilespmem:s16], [sflag:$0x1] =	stream.linear.gather [hbm4b:s21+s1], $0x6400, $0x38;
	[tilespmem:$0x11A00] =	vst v63  }
0xf1: {  	_ =	swait.ge [sflag:s13], $0x6400  }
0xf2: {  	[sflag:s13] =	ssyncset.done $0x0  }
0xf3: {  	[sflag:s13] =	ssyncadd.s32 $0xFFFF9C00  }
0xf4: {  	[tilespmem:s12], [sflag:$0x1] =	stream.linear.gather [hbm4b:s4+s1], $0xC80, $0x38;
	[tilespmem:$0x11A00] =	vst v63  }
0xf5: {  	_ =	swait.ge [sflag:s13], $0xC80  }
0xf6: {  	[sflag:s13] =	ssyncset.done $0x0  }
0xf7: {  	s23 =	rddreg [dreg:$0x1a];
	[sflag:s13] =	ssyncadd.s32 $0xFFFFF380  }
0xf8: {  	[tilespmem:s1], [sflag:$0x1] =	stream.linear.gather [hbm4b:s23+s1], $0x6400, $0x38;
	[tilespmem:$0x11A00] =	vst v63  }
0xf9: {  	_ =	swait.ge [sflag:s13], $0x6400  }
0xfa: {  	[sflag:s13] =	ssyncset.done $0x0  }
0xfb: {  	s24 =	rddreg [dreg:$0x1b];
	[sflag:s13] =	ssyncadd.s32 $0xFFFF9C00  }
0xfc: {  	[tilespmem:s16], [sflag:$0x1] =	stream.linear.gather [hbm4b:s24+s1], $0x6400, $0x38;
	[tilespmem:$0x11A00] =	vst v63  }
0xfd: {  	_ =	swait.ge [sflag:s13], $0x6400  }
0xfe: {  	[sflag:s13] =	ssyncset.done $0x0  }
0xff: {  	[sflag:s13] =	ssyncadd.s32 $0xFFFF9C00  }
0x100: {  	[tilespmem:s12], [sflag:$0x1] =	stream.linear.gather [hbm4b:s5+s1], $0xC80, $0x38;
	[tilespmem:$0x11A00] =	vst v63  }
0x101: {  	_ =	swait.ge [sflag:s13], $0xC80  }
0x102: {  	[sflag:s13] =	ssyncset.done $0x0  }
0x103: {  	s21 =	rddreg [dreg:$0x1c];
	[sflag:s13] =	ssyncadd.s32 $0xFFFFF380  }
0x104: {  	[tilespmem:s1], [sflag:$0x1] =	stream.linear.gather [hbm4b:s21+s1], $0x6400, $0x38;
	[tilespmem:$0x11A00] =	vst v63  }
0x105: {  	_ =	swait.ge [sflag:s13], $0x6400  }
0x106: {  	[sflag:s13] =	ssyncset.done $0x0  }
0x107: {  	s23 =	rddreg [dreg:$0x1d];
	[sflag:s13] =	ssyncadd.s32 $0xFFFF9C00  }
0x108: {  	[tilespmem:s16], [sflag:$0x1] =	stream.linear.gather [hbm4b:s23+s1], $0x6400, $0x38;
	[tilespmem:$0x11A00] =	vst v63  }
0x109: {  	_ =	swait.ge [sflag:s13], $0x6400  }
0x10a: {  	s24 =	sld [smem:$0x7FA]  }
0x10b: {  	[sflag:s13] =	ssyncset.done $0x0  }
0x10c: {  	[sflag:s13] =	ssyncadd.s32 $0xFFFF9C00  }
0x10d: {  	[tilespmem:s12], [sflag:$0x1] =	stream.linear.gather [hbm4b:s24+s1], $0xC80, $0x38;
	[tilespmem:$0x11A00] =	vst v63  }
0x10e: {  	_ =	swait.ge [sflag:s13], $0xC80  }
0x10f: {  	[sflag:s13] =	ssyncset.done $0x0  }
0x110: {  	s21 =	rddreg [dreg:$0x1e];
	[sflag:s13] =	ssyncadd.s32 $0xFFFFF380  }
0x111: {  	[tilespmem:s1], [sflag:$0x1] =	stream.linear.gather [hbm4b:s21+s1], $0x6400, $0x38;
	[tilespmem:$0x11A00] =	vst v63  }
0x112: {  	_ =	swait.ge [sflag:s13], $0x6400  }
0x113: {  	[sflag:s13] =	ssyncset.done $0x0  }
0x114: {  	s23 =	rddreg [dreg:$0x1f];
	[sflag:s13] =	ssyncadd.s32 $0xFFFF9C00  }
0x115: {  	[tilespmem:s16], [sflag:$0x1] =	stream.linear.gather [hbm4b:s23+s1], $0x6400, $0x38;
	[tilespmem:$0x11A00] =	vst v63  }
0x116: {  	_ =	swait.ge [sflag:s13], $0x6400  }
0x117: {  	[sflag:s13] =	ssyncset.done $0x0  }
0x118: {  	[sflag:s13] =	ssyncadd.s32 $0xFFFF9C00  }
0x119: {  	[tilespmem:s12], [sflag:$0x1] =	stream.linear.gather [hbm4b:s6+s1], $0xC80, $0x38;
	[tilespmem:$0x11A00] =	vst v63  }
0x11a: {  	_ =	swait.ge [sflag:s13], $0xC80  }
0x11b: {  	s24 =	sld [smem:$0x7EA]  }
0x11c: {  	[sflag:s13] =	ssyncset.done $0x0  }
0x11d: {  	[sflag:s13] =	ssyncadd.s32 $0xFFFFF380  }
0x11e: {  	[tilespmem:s1], [sflag:$0x1] =	stream.linear.gather [hbm4b:s24+s1], $0x6400, $0x38;
	[tilespmem:$0x11A00] =	vst v63  }
0x11f: {  	_ =	swait.ge [sflag:s13], $0x6400  }
0x120: {  	s21 =	sld [smem:$0x7EB]  }
0x121: {  	[sflag:s13] =	ssyncset.done $0x0  }
0x122: {  	[sflag:s13] =	ssyncadd.s32 $0xFFFF9C00  }
0x123: {  	[tilespmem:s16], [sflag:$0x1] =	stream.linear.gather [hbm4b:s21+s1], $0x6400, $0x38;
	[tilespmem:$0x11A00] =	vst v63  }
0x124: {  	_ =	swait.ge [sflag:s13], $0x6400  }
0x125: {  	[sflag:s13] =	ssyncset.done $0x0  }
0x126: {  	[sflag:s13] =	ssyncadd.s32 $0xFFFF9C00  }
0x127: {  	[tilespmem:s12], [sflag:$0x1] =	stream.linear.gather [hbm4b:s7+s1], $0xC80, $0x38;
	[tilespmem:$0x11A00] =	vst v63  }
0x128: {  	_ =	swait.ge [sflag:s13], $0xC80  }
0x129: {  	s23 =	sld [smem:$0x7EC]  }
0x12a: {  	[sflag:s13] =	ssyncset.done $0x0  }
0x12b: {  	[sflag:s13] =	ssyncadd.s32 $0xFFFFF380  }
0x12c: {  	[tilespmem:s1], [sflag:$0x1] =	stream.linear.gather [hbm4b:s23+s1], $0x6400, $0x38;
	[tilespmem:$0x11A00] =	vst v63  }
0x12d: {  	_ =	swait.ge [sflag:s13], $0x6400  }
0x12e: {  	s24 =	sld [smem:$0x7ED]  }
0x12f: {  	[sflag:s13] =	ssyncset.done $0x0  }
0x130: {  	[sflag:s13] =	ssyncadd.s32 $0xFFFF9C00  }
0x131: {  	[tilespmem:s16], [sflag:$0x1] =	stream.linear.gather [hbm4b:s24+s1], $0x6400, $0x38;
	[tilespmem:$0x11A00] =	vst v63  }
0x132: {  	_ =	swait.ge [sflag:s13], $0x6400  }
0x133: {  	[sflag:s13] =	ssyncset.done $0x0  }
0x134: {  	[sflag:s13] =	ssyncadd.s32 $0xFFFF9C00  }
0x135: {  	[tilespmem:s12], [sflag:$0x1] =	stream.linear.gather [hbm4b:s8+s1], $0xC80, $0x38;
	[tilespmem:$0x11A00] =	vst v63  }
0x136: {  	_ =	swait.ge [sflag:s13], $0xC80  }
0x137: {  	s21 =	sld [smem:$0x7EE]  }
0x138: {  	[sflag:s13] =	ssyncset.done $0x0  }
0x139: {  	[sflag:s13] =	ssyncadd.s32 $0xFFFFF380  }
0x13a: {  	[tilespmem:s1], [sflag:$0x1] =	stream.linear.gather [hbm4b:s21+s1], $0x6400, $0x38;
	[tilespmem:$0x11A00] =	vst v63  }
0x13b: {  	_ =	swait.ge [sflag:s13], $0x6400  }
0x13c: {  	s23 =	sld [smem:$0x7EF]  }
0x13d: {  	[sflag:s13] =	ssyncset.done $0x0  }
0x13e: {  	[sflag:s13] =	ssyncadd.s32 $0xFFFF9C00  }
0x13f: {  	[tilespmem:s16], [sflag:$0x1] =	stream.linear.gather [hbm4b:s23+s1], $0x6400, $0x38;
	[tilespmem:$0x11A00] =	vst v63  }
0x140: {  	_ =	swait.ge [sflag:s13], $0x6400  }
0x141: {  	[sflag:s13] =	ssyncset.done $0x0  }
0x142: {  	[sflag:s13] =	ssyncadd.s32 $0xFFFF9C00  }
0x143: {  	[tilespmem:s12], [sflag:$0x1] =	stream.linear.gather [hbm4b:s9+s1], $0xC80, $0x38;
	[tilespmem:$0x11A00] =	vst v63  }
0x144: {  	_ =	swait.ge [sflag:s13], $0xC80  }
0x145: {  	s24 =	sld [smem:$0x7F0]  }
0x146: {  	[sflag:s13] =	ssyncset.done $0x0  }
0x147: {  	[sflag:s13] =	ssyncadd.s32 $0xFFFFF380  }
0x148: {  	[tilespmem:s1], [sflag:$0x1] =	stream.linear.gather [hbm4b:s24+s1], $0x6400, $0x38;
	[tilespmem:$0x11A00] =	vst v63  }
0x149: {  	_ =	swait.ge [sflag:s13], $0x6400  }
0x14a: {  	s21 =	sld [smem:$0x7F1]  }
0x14b: {  	[sflag:s13] =	ssyncset.done $0x0  }
0x14c: {  	[sflag:s13] =	ssyncadd.s32 $0xFFFF9C00  }
0x14d: {  	[tilespmem:s16], [sflag:$0x1] =	stream.linear.gather [hbm4b:s21+s1], $0x6400, $0x38;
	[tilespmem:$0x11A00] =	vst v63  }
0x14e: {  	_ =	swait.ge [sflag:s13], $0x6400  }
0x14f: {  	[sflag:s13] =	ssyncset.done $0x0  }
0x150: {  	[sflag:s13] =	ssyncadd.s32 $0xFFFF9C00  }
0x151: {  	[tilespmem:s12], [sflag:$0x1] =	stream.linear.gather [hbm4b:s10+s1], $0xC80, $0x38;
	[tilespmem:$0x11A00] =	vst v63  }
0x152: {  	_ =	swait.ge [sflag:s13], $0xC80  }
0x153: {  	s23 =	sld [smem:$0x7F2]  }
0x154: {  	[sflag:s13] =	ssyncset.done $0x0  }
0x155: {  	[sflag:s13] =	ssyncadd.s32 $0xFFFFF380  }
0x156: {  	[tilespmem:s1], [sflag:$0x1] =	stream.linear.gather [hbm4b:s23+s1], $0x6400, $0x38;
	[tilespmem:$0x11A00] =	vst v63  }
0x157: {  	_ =	swait.ge [sflag:s13], $0x6400  }
0x158: {  	s24 =	sld [smem:$0x7F3]  }
0x159: {  	[sflag:s13] =	ssyncset.done $0x0  }
0x15a: {  	[sflag:s13] =	ssyncadd.s32 $0xFFFF9C00  }
0x15b: {  	[tilespmem:s16], [sflag:$0x1] =	stream.linear.gather [hbm4b:s24+s1], $0x6400, $0x38;
	[tilespmem:$0x11A00] =	vst v63  }
0x15c: {  	_ =	swait.ge [sflag:s13], $0x6400  }
0x15d: {  	[sflag:s13] =	ssyncset.done $0x0  }
0x15e: {  	[sflag:s13] =	ssyncadd.s32 $0xFFFF9C00  }
0x15f: {  	[tilespmem:s12], [sflag:$0x1] =	stream.linear.gather [hbm4b:s11+s1], $0xC80, $0x38;
	[tilespmem:$0x11A00] =	vst v63  }
0x160: {  	_ =	swait.ge [sflag:s13], $0xC80  }
0x161: {  	s21 =	sld [smem:$0x7F4]  }
0x162: {  	[sflag:s13] =	ssyncset.done $0x0  }
0x163: {  	[sflag:s13] =	ssyncadd.s32 $0xFFFFF380  }
0x164: {  	[tilespmem:s1], [sflag:$0x1] =	stream.linear.gather [hbm4b:s21+s1], $0x6400, $0x38;
	[tilespmem:$0x11A00] =	vst v63  }
0x165: {  	_ =	swait.ge [sflag:s13], $0x6400  }
0x166: {  	s23 =	sld [smem:$0x7F5]  }
0x167: {  	[sflag:s13] =	ssyncset.done $0x0  }
0x168: {  	[sflag:s13] =	ssyncadd.s32 $0xFFFF9C00  }
0x169: {  	[tilespmem:s16], [sflag:$0x1] =	stream.linear.gather [hbm4b:s23+s1], $0x6400, $0x38;
	[tilespmem:$0x11A00] =	vst v63  }
0x16a: {  	_ =	swait.ge [sflag:s13], $0x6400  }
0x16b: {  	s24 =	sld [smem:$0x7F6]  }
0x16c: {  	[sflag:s13] =	ssyncset.done $0x0  }
0x16d: {  	s21 =	simm.s32 $0xD480;
	[sflag:s13] =	ssyncadd.s32 $0xFFFF9C00  }
0x16e: {  	[hbm4b:s24+s17] =	stream.strided.scatter [tilespmem:s21], [sflag:$0x1], $0x2080, s18, s17, $0x38;
	[tilespmem:$0x11A00] =	vst v63  }
0x16f: {  	_ =	swait.ge [sflag:s13], $0x2080  }
0x170: {  	s23 =	sld [smem:$0x7F7]  }
0x171: {  	[sflag:s13] =	ssyncset.done $0x0  }
0x172: {  	s24 =	simm.s32 $0xF500;
	[sflag:s13] =	ssyncadd.s32 $0xFFFFDF80  }
0x173: {  	[hbm4b:s23+s17] =	stream.strided.scatter [tilespmem:s24], [sflag:$0x1], $0x2080, s18, s17, $0x38;
	[tilespmem:$0x11A00] =	vst v63  }
0x174: {  	_ =	swait.ge [sflag:s13], $0x2080  }
0x175: {  	s21 =	sld [smem:$0x7F8]  }
0x176: {  	[sflag:s13] =	ssyncset.done $0x0  }
0x177: {  	s23 =	simm.s32 $0x11580;
	[sflag:s13] =	ssyncadd.s32 $0xFFFFDF80  }
0x178: {  	[hbm4b:s21+s17] =	stream.strided.scatter [tilespmem:s23], [sflag:$0x1], $0x480, s18, s17, $0x38;
	[tilespmem:$0x11A00] =	vst v63  }
0x179: {  	_ =	swait.ge [sflag:s13], $0x480  }
0x17a: {  	s24 =	sld [smem:$0x7F9];
	_ =	sdelay $0x1  }
0x17b: {  	s19 =	sadd.s32 $0x1, s19  }
0x17c: {  	p0 =	seq.s32 s19, s24  }
.Ltmp3:
0x17d: {  	_ = 	snop;
	(pc) =	sbr.rel @!p0 .LBB2_1-.Ltmp3, $3  }
0x17e: {  	_ =	sdelay $0x1  }
0x17f: {  	[sflag:s13] =	ssyncset.done $0x0  }
0x180: {  	[sflag:s13] =	ssyncadd.s32 $0xFFFFFB80  }
0x181: {  	_ =	sfence.sel $0x180000  }
0x182: {  	[bflag:$0x0] =	sbarrier.arrive $0xFFFF  }
0x183: {  	_ =	strace $0x90000047  }
0x184: {  	s0 =	stileid.u32;
	[bflag:$0x2] =	sbarrier.arrive $0xFFFF  }
0x185: {  	p0 =	sne.s32 s0, $0x0;
	s0 =	rddreg [dreg:$0x1]  }
0x186: {  	s0 =	sadd.s32 @!p0 $0x100000, s0  }
0x187: {  	[sflag:s0] =	ssyncadd.tile.s32 @!p0 $0x1;
	_ =	shalt  }
.Lfunc_end2:
_tile_overlayer_lowered:
.L_overlay_start_2:
0x188: {  	(tag) =	ssettag $0x2  }
0x189: {  	s0 =	rddreg [dreg:$0x0];
	s2 =	stileid.u32  }
0x18a: {  	s1 =	rddreg [dreg:$0x1];
	p0 =	sne.s32 s2, $0x0  }
0x18b: {  	s3 =	rddreg [dreg:$0x2];
	[bflag:$0x3] =	sbarrier.arrive $0xFFFF;
	s2 =	simm.s32 @!p0 $0x1C01  }
0x18c: {  	[timem:s3], [sflag:s2] =	dma.local @!p0 [hbm:s0], s1  }
0x18d: {  	s0 =	simm.s32 @!p0 $0x1  }
0x18e: {  	_ =	swait.ge @!p0 [sflag:s0], s1  }
0x18f: {  	s1 =	ssub.s32 @!p0 $0x0, s1;
	[sflag:s0] =	ssyncset.done @!p0 $0x0  }
0x190: {  	[sflag:s0] =	ssyncadd.s32 @!p0 s1  }
0x191: {  	[bflag:$0x3] =	sbarrier.arrive $0xFFFF  }
0x192: {  	_ =	shalt  }

</sc_bundles>
